<compile_context>
chip_gen: v7x
topology: tpu7x:2x2x1
jax: 0.10.2.dev20260603
libtpu: 0.0.44.dev20260713+nightly
codegen_flags: <defaults>
</compile_context>

<pallas_src>
import jax
import jax.numpy as jnp
from jax import lax
from jax.experimental import pallas as pl
from jax.experimental.pallas import tpu as pltpu
from jax.experimental.pallas import tpu_sc as plsc

N = 10000
D = 128
E = 320000

NC = 2
NS = 16
NW = NC * NS
C = 128

ROWS_PER_TILE = 640
N_ACC = NS * ROWS_PER_TILE
DUMMY_DST = N
EDGES_PER_TILE = ((E + NW * C - 1) // (NW * C)) * C
E_PAD = EDGES_PER_TILE * NW
CHUNKS_PER_TILE = EDGES_PER_TILE // C

_MESH = plsc.VectorSubcoreMesh(
    core_axis_name="c", subcore_axis_name="s",
    num_cores=NC, num_subcores=NS)


def _make_sc_agg():
  out_type = (jax.ShapeDtypeStruct((NC, N_ACC, D), jnp.float32),)
  scratch = (
      pltpu.VMEM_SHARED((N_ACC, D), jnp.float32),
      pltpu.VMEM((C,), jnp.int32),
      pltpu.VMEM((C,), jnp.int32),
      pltpu.VMEM((C, D), jnp.float32),
      pltpu.SemaphoreType.DMA,
  )

  def body(x_hbm, src_hbm, dst_hbm, zeros_hbm,
           out_sums, acc_sh, sidx, didx, rows, sem):
    cid = lax.axis_index("c")
    sid = lax.axis_index("s")
    wid = cid * NS + sid
    r0 = sid * ROWS_PER_TILE

    pltpu.sync_copy(zeros_hbm.at[pl.ds(r0, ROWS_PER_TILE)],
                    acc_sh.at[pl.ds(r0, ROWS_PER_TILE)])
    plsc.subcore_barrier()

    e0 = wid * EDGES_PER_TILE

    def chunk(t, carry):
      off = pl.multiple_of(e0 + t * C, C)
      pltpu.sync_copy(src_hbm.at[pl.ds(off, C)], sidx)
      pltpu.async_copy(x_hbm.at[sidx], rows, sem).wait()
      pltpu.sync_copy(dst_hbm.at[pl.ds(off, C)], didx)
      pltpu.sync_copy(rows, acc_sh.at[didx], add=True)
      return carry

    lax.fori_loop(0, CHUNKS_PER_TILE, chunk, 0)
    plsc.subcore_barrier()

    pltpu.sync_copy(acc_sh.at[pl.ds(r0, ROWS_PER_TILE)],
                    out_sums.at[cid, pl.ds(r0, ROWS_PER_TILE)])

  return pl.kernel(body, out_type=out_type, mesh=_MESH,
                   scratch_types=scratch)


def _make_sc_count():
  out_type = (jax.ShapeDtypeStruct((NC, N_ACC, D), jnp.float32),)
  scratch = (
      pltpu.VMEM_SHARED((N_ACC, D), jnp.float32),
      pltpu.VMEM((C,), jnp.int32),
      pltpu.VMEM((C, D), jnp.float32),
  )

  def body(dst_hbm, zeros_hbm, ones_hbm, out_cnt, cnt_sh, didx, ones_v):
    cid = lax.axis_index("c")
    sid = lax.axis_index("s")
    wid = cid * NS + sid
    r0 = sid * ROWS_PER_TILE

    pltpu.sync_copy(zeros_hbm.at[pl.ds(r0, ROWS_PER_TILE)],
                    cnt_sh.at[pl.ds(r0, ROWS_PER_TILE)])
    pltpu.sync_copy(ones_hbm, ones_v)
    plsc.subcore_barrier()

    e0 = wid * EDGES_PER_TILE

    def chunk(t, carry):
      off = pl.multiple_of(e0 + t * C, C)
      pltpu.sync_copy(dst_hbm.at[pl.ds(off, C)], didx)
      pltpu.sync_copy(ones_v, cnt_sh.at[didx], add=True)
      return carry

    lax.fori_loop(0, CHUNKS_PER_TILE, chunk, 0)
    plsc.subcore_barrier()

    pltpu.sync_copy(cnt_sh.at[pl.ds(r0, ROWS_PER_TILE)],
                    out_cnt.at[cid, pl.ds(r0, ROWS_PER_TILE)])

  return pl.kernel(body, out_type=out_type, mesh=_MESH,
                   scratch_types=scratch)


def _tc_mid(sums1, cnt, feat, w1l, b1, w1r, w2l, w2r, b2):
  def body(s_ref, c_ref, f_ref, w1l_ref, b1_ref, w1r_ref, w2l_ref,
           w2r_ref, b2_ref, y2_ref, r2_ref):
    s = s_ref[0, :, :] + s_ref[1, :, :]
    c = c_ref[0, :, 0:1] + c_ref[1, :, 0:1]
    agg = s / jnp.maximum(c, 1.0)
    x2 = (jnp.dot(agg, w1l_ref[...], preferred_element_type=jnp.float32)
          + b1_ref[...]
          + jnp.dot(f_ref[...], w1r_ref[...],
                    preferred_element_type=jnp.float32))
    x2 = jnp.where(x2 >= 0, x2, 0.01 * x2)
    y2_ref[...] = jnp.dot(x2, w2l_ref[...],
                          preferred_element_type=jnp.float32)
    r2_ref[...] = (jnp.dot(x2, w2r_ref[...],
                           preferred_element_type=jnp.float32)
                   + b2_ref[...])

  return pl.pallas_call(
      body,
      out_shape=(jax.ShapeDtypeStruct((N_ACC, D), jnp.float32),
                 jax.ShapeDtypeStruct((N_ACC, D), jnp.float32)),
  )(sums1, cnt, feat, w1l, b1, w1r, w2l, w2r, b2)


def _tc_out(sums2, cnt, r2):
  def body(s_ref, c_ref, r_ref, o_ref):
    s = s_ref[0, :, :] + s_ref[1, :, :]
    c = c_ref[0, :, 0:1] + c_ref[1, :, 0:1]
    o_ref[...] = s / jnp.maximum(c, 1.0) + r_ref[...]

  return pl.pallas_call(
      body,
      out_shape=jax.ShapeDtypeStruct((N_ACC, D), jnp.float32),
  )(sums2, cnt, r2)


def kernel(features, edges, edges2, edge_features, additional_feature,
           W1_l, b1, W1_r, W2_l, b2, W2_r):
  del edges, edge_features, additional_feature
  src = edges2[0]
  dst = edges2[1]
  pad = E_PAD - E
  src_p = jnp.concatenate([src, jnp.zeros((pad,), jnp.int32)])
  dst_p = jnp.concatenate([dst, jnp.full((pad,), DUMMY_DST, jnp.int32)])
  feat_p = jnp.pad(features, ((0, N_ACC - N), (0, 0)))
  zeros_big = jnp.zeros((N_ACC, D), jnp.float32)
  ones = jnp.ones((C, D), jnp.float32)

  sc_agg = _make_sc_agg()
  sc_count = _make_sc_count()

  (cnt,) = sc_count(dst_p, zeros_big, ones)
  (sums1,) = sc_agg(feat_p, src_p, dst_p, zeros_big)
  y2, r2 = _tc_mid(sums1, cnt, feat_p, W1_l.T, b1[None, :], W1_r.T,
                   W2_l.T, W2_r.T, b2[None, :])
  (sums2,) = sc_agg(y2, src_p, dst_p, zeros_big)
  out = _tc_out(sums2, cnt, r2)
  return out[:N]

# --- scband reference (transcript-rebuilt; emitter-appended) ---
"""Pipeline reference for scband-sageconv-model-21981642620996 (READ-ONLY COPY).

The authoritative reference and input builder live on the scoring server;
editing this copy changes nothing except your own understanding.
"""

import jax, jax.numpy as jnp
import numpy as np

N = 10000
E = 320000
D_IN = 128
D_HID = 128
D_OUT = 128


def setup_inputs(seed: int = 0) -> dict:
    key = jax.random.key(seed)
    ks = jax.random.split(key, 12)
    features = jax.random.normal(ks[0], (N, D_IN), dtype=jnp.float32)
    edges = jax.random.randint(ks[1], (2, E), 0, N, dtype=jnp.int32)
    edges2 = jax.random.randint(ks[2], (2, E), 0, N, dtype=jnp.int32)
    edge_features = jax.random.normal(ks[3], (E, 4), dtype=jnp.float32)
    additional_feature = jax.random.normal(ks[4], (N, 20), dtype=jnp.float32)
    s1 = 1.0 / np.sqrt(D_IN)
    s2 = 1.0 / np.sqrt(D_HID)
    W1_l = jax.random.uniform(ks[5], (D_HID, D_IN), jnp.float32, -s1, s1)
    b1 = jax.random.uniform(ks[6], (D_HID,), jnp.float32, -s1, s1)
    W1_r = jax.random.uniform(ks[7], (D_HID, D_IN), jnp.float32, -s1, s1)
    W2_l = jax.random.uniform(ks[8], (D_OUT, D_HID), jnp.float32, -s2, s2)
    b2 = jax.random.uniform(ks[9], (D_OUT,), jnp.float32, -s2, s2)
    W2_r = jax.random.uniform(ks[10], (D_OUT, D_HID), jnp.float32, -s2, s2)
    return {
        "features": features,
        "edges": edges,
        "edges2": edges2,
        "edge_features": edge_features,
        "additional_feature": additional_feature,
        "W1_l": W1_l,
        "b1": b1,
        "W1_r": W1_r,
        "W2_l": W2_l,
        "b2": b2,
        "W2_r": W2_r,
    }


def _sage_conv(x, edge_index, W_l, b_l, W_r):
    # PyG SAGEConv with aggr='mean':
    # out = lin_l(mean_{j in N(i)} x_j) + lin_r(x_i); lin_l has bias, lin_r does not.
    src = edge_index[0]
    dst = edge_index[1]
    msgs = jnp.take(x, src, axis=0)                                   # gather (SparseCore)
    summed = jax.ops.segment_sum(msgs, dst, num_segments=x.shape[0])  # scatter-add
    cnt = jax.ops.segment_sum(
        jnp.ones((edge_index.shape[1], 1), dtype=x.dtype), dst, num_segments=x.shape[0]
    )
    agg = summed / jnp.maximum(cnt, 1.0)  # mean; zero-degree nodes -> 0
    return agg @ W_l.T + b_l + x @ W_r.T


def reference(features, edges, edges2, edge_features, additional_feature,
              W1_l, b1, W1_r, W2_l, b2, W2_r):
    # use_additional_channels=False -> additional_feature unused; edges & edge_features unused.
    x = _sage_conv(features, edges2, W1_l, b1, W1_r)
    x = jnp.where(x >= 0, x, 0.01 * x)  # leaky_relu, default negative_slope=0.01
    # dropout p=0.0 (eval) -> identity
    out = _sage_conv(x, edges2, W2_l, b2, W2_r)
    return out

if __name__ == "__main__":
    import jax
    _d = setup_inputs()
    print(jax.jit(kernel)(*tuple(_d.values())))

</pallas_src>

<mosaic_0001>
#map = affine_map<(d0, d1) -> (0, 0)>
#map1 = affine_map<(d0, d1) -> (0)>
#map2 = affine_map<(d0, d1) -> (0, 0, 0)>
module attributes {stable_mosaic.version = 14 : i64} {
  func.func @body(%arg0: i32, %arg1: i32, %arg2: memref<10240x128xf32, #tpu.memory_space<hbm>>, %arg3: memref<323584xi32, #tpu.memory_space<hbm>>, %arg4: memref<323584xi32, #tpu.memory_space<hbm>>, %arg5: memref<10240x128xf32, #tpu.memory_space<hbm>>, %arg6: memref<2x10240x128xf32, #tpu.memory_space<hbm>>, %arg7: memref<10240x128xf32, #tpu.memory_space<vmem_shared>>, %arg8: memref<128xi32, #tpu.memory_space<vmem>>, %arg9: memref<128xi32, #tpu.memory_space<vmem>>, %arg10: memref<128x128xf32, #tpu.memory_space<vmem>>, %arg11: memref<!tpu.dma_semaphore, #tpu.memory_space<semaphore_mem>>) attributes {dimension_semantics = [#tpu.dimension_semantics<core_parallel>, #tpu.dimension_semantics<subcore_parallel>], iteration_bounds = array<i64: 2, 16>, scalar_prefetch = 0 : i64, scratch_operands = 5 : i64, tpu.core_type = #tpu.core_type<sc_vector_subcore>, window_params = [{transform_indices = #map}, {transform_indices = #map1}, {transform_indices = #map1}, {transform_indices = #map}, {transform_indices = #map2}]} {
    %mul3A = arith.constant 16 : i32
    %mul3A_0 = arith.muli %arg0, %mul3A : i32
    %add3A = arith.addi %mul3A_0, %arg1 : i32
    %mul3A_1 = arith.constant 640 : i32
    %mul3A_2 = arith.muli %arg1, %mul3A_1 : i32
    "tpu.region"() ({
      %run_scoped3A = tpu.sem_alloc : memref<!tpu.dma_semaphore, #tpu.memory_space<semaphore_mem>>
      %dma_start3A = arith.constant 0 : i32
      %dma_start3A_11 = tpu.memref_slice %arg7[%mul3A_2, %dma_start3A] : memref<10240x128xf32, #tpu.memory_space<vmem_shared>> -> memref<640x128xf32, #tpu.memory_space<vmem_shared>>
      %dma_start3A_12 = arith.constant 0 : i32
      %dma_start3A_13 = tpu.memref_slice %arg5[%mul3A_2, %dma_start3A_12] : memref<10240x128xf32, #tpu.memory_space<hbm>> -> memref<640x128xf32, #tpu.memory_space<hbm>>
      tpu.enqueue_dma source(%dma_start3A_13 : memref<640x128xf32, #tpu.memory_space<hbm>>) target(%dma_start3A_11 : memref<640x128xf32, #tpu.memory_space<vmem_shared>>) target_semaphore(%run_scoped3A : memref<!tpu.dma_semaphore, #tpu.memory_space<semaphore_mem>>)
      %dma_wait3A = arith.constant 0 : i32
      %dma_wait3A_14 = tpu.memref_slice %arg7[%mul3A_2, %dma_wait3A] : memref<10240x128xf32, #tpu.memory_space<vmem_shared>> -> memref<640x128xf32, #tpu.memory_space<vmem_shared>>
      %dma_wait3A_15 = arith.constant 0 : i32
      %dma_wait3A_16 = tpu.memref_slice %arg5[%mul3A_2, %dma_wait3A_15] : memref<10240x128xf32, #tpu.memory_space<hbm>> -> memref<640x128xf32, #tpu.memory_space<hbm>>
      tpu.wait_dma2 semaphore(%run_scoped3A : memref<!tpu.dma_semaphore, #tpu.memory_space<semaphore_mem>>) src(%dma_wait3A_16 : memref<640x128xf32, #tpu.memory_space<hbm>>) dst(%dma_wait3A_14 : memref<640x128xf32, #tpu.memory_space<vmem_shared>>)
      tpu.yield
    }) : () -> ()
    %barrier3A = arith.constant 0 : index
    tpu.barrier barrier_id(%barrier3A)
    %mul3A_3 = arith.constant 10112 : i32
    %mul3A_4 = arith.muli %add3A, %mul3A_3 : i32
    %scan3A = arith.constant 0 : i32
    %scan3A_5 = arith.constant 0 : i32
    %scan3A_6 = arith.constant 79 : i32
    %scan3A_7 = arith.addi %scan3A_5, %scan3A_6 : i32
    %scan3A_8 = arith.constant 1 : i32
    scf.for %scan3A_11 = %scan3A_5 to %scan3A_7 step %scan3A_8  : i32 {
      %mul3A_12 = arith.constant 128 : i32
      %mul3A_13 = arith.muli %scan3A_11, %mul3A_12 : i32
      %add3A_14 = arith.addi %mul3A_4, %mul3A_13 : i32
      %multiple_of3A = tpu.assume_multiple %add3A_14, 128 : i32
      "tpu.region"() ({
        %run_scoped3A = tpu.sem_alloc : memref<!tpu.dma_semaphore, #tpu.memory_space<semaphore_mem>>
        %dma_start3A_19 = tpu.memref_slice %arg3[%multiple_of3A] : memref<323584xi32, #tpu.memory_space<hbm>> -> memref<128xi32, #tpu.memory_space<hbm>>
        %dma_start3A_20 = tpu.memref_slice %arg3[%multiple_of3A] : memref<323584xi32, #tpu.memory_space<hbm>> -> memref<128xi32, #tpu.memory_space<hbm>>
        tpu.enqueue_dma source(%dma_start3A_20 : memref<128xi32, #tpu.memory_space<hbm>>) target(%arg8 : memref<128xi32, #tpu.memory_space<vmem>>) target_semaphore(%run_scoped3A : memref<!tpu.dma_semaphore, #tpu.memory_space<semaphore_mem>>)
        %dma_wait3A_21 = tpu.memref_slice %arg3[%multiple_of3A] : memref<323584xi32, #tpu.memory_space<hbm>> -> memref<128xi32, #tpu.memory_space<hbm>>
        %dma_wait3A_22 = tpu.memref_slice %arg3[%multiple_of3A] : memref<323584xi32, #tpu.memory_space<hbm>> -> memref<128xi32, #tpu.memory_space<hbm>>
        tpu.wait_dma2 semaphore(%run_scoped3A : memref<!tpu.dma_semaphore, #tpu.memory_space<semaphore_mem>>) src(%dma_wait3A_22 : memref<128xi32, #tpu.memory_space<hbm>>) dst(%arg8 : memref<128xi32, #tpu.memory_space<vmem>>)
        tpu.yield
      }) : () -> ()
      %dma_start3A = arith.constant 0 : i32
      %dma_start3A_15 = arith.constant 0 : i32
      %dma_start3A_16 = tpu.memref_slice %arg2[%dma_start3A, %dma_start3A_15] : memref<10240x128xf32, #tpu.memory_space<hbm>> -> memref<10240x128xf32, #tpu.memory_space<hbm>>
      tpu.enqueue_indirect_dma source(%dma_start3A_16 : memref<10240x128xf32, #tpu.memory_space<hbm>>) target(%arg10 : memref<128x128xf32, #tpu.memory_space<vmem>>) offsets(%arg8 : memref<128xi32, #tpu.memory_space<vmem>>) semaphore(%arg11 : memref<!tpu.dma_semaphore, #tpu.memory_space<semaphore_mem>>)
      %dma_wait3A = arith.constant 0 : i32
      %dma_wait3A_17 = arith.constant 0 : i32
      %dma_wait3A_18 = tpu.memref_slice %arg2[%dma_wait3A, %dma_wait3A_17] : memref<10240x128xf32, #tpu.memory_space<hbm>> -> memref<10240x128xf32, #tpu.memory_space<hbm>>
      tpu.wait_indirect_dma semaphore(%arg11 : memref<!tpu.dma_semaphore, #tpu.memory_space<semaphore_mem>>) src(%dma_wait3A_18 : memref<10240x128xf32, #tpu.memory_space<hbm>>) dst(%arg10 : memref<128x128xf32, #tpu.memory_space<vmem>>)
      "tpu.region"() ({
        %run_scoped3A = tpu.sem_alloc : memref<!tpu.dma_semaphore, #tpu.memory_space<semaphore_mem>>
        %dma_start3A_19 = tpu.memref_slice %arg4[%multiple_of3A] : memref<323584xi32, #tpu.memory_space<hbm>> -> memref<128xi32, #tpu.memory_space<hbm>>
        %dma_start3A_20 = tpu.memref_slice %arg4[%multiple_of3A] : memref<323584xi32, #tpu.memory_space<hbm>> -> memref<128xi32, #tpu.memory_space<hbm>>
        tpu.enqueue_dma source(%dma_start3A_20 : memref<128xi32, #tpu.memory_space<hbm>>) target(%arg9 : memref<128xi32, #tpu.memory_space<vmem>>) target_semaphore(%run_scoped3A : memref<!tpu.dma_semaphore, #tpu.memory_space<semaphore_mem>>)
        %dma_wait3A_21 = tpu.memref_slice %arg4[%multiple_of3A] : memref<323584xi32, #tpu.memory_space<hbm>> -> memref<128xi32, #tpu.memory_space<hbm>>
        %dma_wait3A_22 = tpu.memref_slice %arg4[%multiple_of3A] : memref<323584xi32, #tpu.memory_space<hbm>> -> memref<128xi32, #tpu.memory_space<hbm>>
        tpu.wait_dma2 semaphore(%run_scoped3A : memref<!tpu.dma_semaphore, #tpu.memory_space<semaphore_mem>>) src(%dma_wait3A_22 : memref<128xi32, #tpu.memory_space<hbm>>) dst(%arg9 : memref<128xi32, #tpu.memory_space<vmem>>)
        tpu.yield
      }) : () -> ()
      "tpu.region"() ({
        %run_scoped3A = tpu.sem_alloc : memref<!tpu.dma_semaphore, #tpu.memory_space<semaphore_mem>>
        %dma_start3A_19 = arith.constant 0 : i32
        %dma_start3A_20 = arith.constant 0 : i32
        %dma_start3A_21 = tpu.memref_slice %arg7[%dma_start3A_19, %dma_start3A_20] : memref<10240x128xf32, #tpu.memory_space<vmem_shared>> -> memref<10240x128xf32, #tpu.memory_space<vmem_shared>>
        tpu.enqueue_indirect_dma source(%arg10 : memref<128x128xf32, #tpu.memory_space<vmem>>) target(%dma_start3A_21 : memref<10240x128xf32, #tpu.memory_space<vmem_shared>>) offsets(%arg9 : memref<128xi32, #tpu.memory_space<vmem>>) semaphore(%run_scoped3A : memref<!tpu.dma_semaphore, #tpu.memory_space<semaphore_mem>>) {add = true}
        %dma_wait3A_22 = arith.constant 0 : i32
        %dma_wait3A_23 = arith.constant 0 : i32
        %dma_wait3A_24 = tpu.memref_slice %arg7[%dma_wait3A_22, %dma_wait3A_23] : memref<10240x128xf32, #tpu.memory_space<vmem_shared>> -> memref<10240x128xf32, #tpu.memory_space<vmem_shared>>
        tpu.wait_indirect_dma semaphore(%run_scoped3A : memref<!tpu.dma_semaphore, #tpu.memory_space<semaphore_mem>>) src(%arg10 : memref<128x128xf32, #tpu.memory_space<vmem>>) dst(%dma_wait3A_24 : memref<10240x128xf32, #tpu.memory_space<vmem_shared>>)
        tpu.yield
      }) : () -> ()
    }
    %scan3A_9 = arith.constant 79 : i32
    %barrier3A_10 = arith.constant 0 : index
    tpu.barrier barrier_id(%barrier3A_10)
    "tpu.region"() ({
      %run_scoped3A = tpu.sem_alloc : memref<!tpu.dma_semaphore, #tpu.memory_space<semaphore_mem>>
      %dma_start3A = arith.constant 0 : i32
      %dma_start3A_11 = tpu.memref_slice %arg6[%arg0, %mul3A_2, %dma_start3A] : memref<2x10240x128xf32, #tpu.memory_space<hbm>> -> memref<1x640x128xf32, #tpu.memory_space<hbm>>
      %dma_start3A_12 = tpu.memref_squeeze %dma_start3A_11 : memref<1x640x128xf32, #tpu.memory_space<hbm>> -> memref<640x128xf32, #tpu.memory_space<hbm>>
      %dma_start3A_13 = arith.constant 0 : i32
      %dma_start3A_14 = tpu.memref_slice %arg7[%mul3A_2, %dma_start3A_13] : memref<10240x128xf32, #tpu.memory_space<vmem_shared>> -> memref<640x128xf32, #tpu.memory_space<vmem_shared>>
      tpu.enqueue_dma source(%dma_start3A_14 : memref<640x128xf32, #tpu.memory_space<vmem_shared>>) target(%dma_start3A_12 : memref<640x128xf32, #tpu.memory_space<hbm>>) target_semaphore(%run_scoped3A : memref<!tpu.dma_semaphore, #tpu.memory_space<semaphore_mem>>)
      %dma_wait3A = arith.constant 0 : i32
      %dma_wait3A_15 = tpu.memref_slice %arg6[%arg0, %mul3A_2, %dma_wait3A] : memref<2x10240x128xf32, #tpu.memory_space<hbm>> -> memref<1x640x128xf32, #tpu.memory_space<hbm>>
      %dma_wait3A_16 = tpu.memref_squeeze %dma_wait3A_15 : memref<1x640x128xf32, #tpu.memory_space<hbm>> -> memref<640x128xf32, #tpu.memory_space<hbm>>
      %dma_wait3A_17 = arith.constant 0 : i32
      %dma_wait3A_18 = tpu.memref_slice %arg7[%mul3A_2, %dma_wait3A_17] : memref<10240x128xf32, #tpu.memory_space<vmem_shared>> -> memref<640x128xf32, #tpu.memory_space<vmem_shared>>
      tpu.wait_dma2 semaphore(%run_scoped3A : memref<!tpu.dma_semaphore, #tpu.memory_space<semaphore_mem>>) src(%dma_wait3A_18 : memref<640x128xf32, #tpu.memory_space<vmem_shared>>) dst(%dma_wait3A_16 : memref<640x128xf32, #tpu.memory_space<hbm>>)
      tpu.yield
    }) : () -> ()
    return
  }
}

#map = affine_map<(d0, d1) -> (0)>
#map1 = affine_map<(d0, d1) -> (0, 0)>
#map2 = affine_map<(d0, d1) -> (0, 0, 0)>
module attributes {stable_mosaic.version = 14 : i64} {
  func.func @body(%arg0: i32, %arg1: i32, %arg2: memref<323584xi32, #tpu.memory_space<hbm>>, %arg3: memref<10240x128xf32, #tpu.memory_space<hbm>>, %arg4: memref<128x128xf32, #tpu.memory_space<hbm>>, %arg5: memref<2x10240x128xf32, #tpu.memory_space<hbm>>, %arg6: memref<10240x128xf32, #tpu.memory_space<vmem_shared>>, %arg7: memref<128xi32, #tpu.memory_space<vmem>>, %arg8: memref<128x128xf32, #tpu.memory_space<vmem>>) attributes {dimension_semantics = [#tpu.dimension_semantics<core_parallel>, #tpu.dimension_semantics<subcore_parallel>], iteration_bounds = array<i64: 2, 16>, scalar_prefetch = 0 : i64, scratch_operands = 3 : i64, tpu.core_type = #tpu.core_type<sc_vector_subcore>, window_params = [{transform_indices = #map}, {transform_indices = #map1}, {transform_indices = #map1}, {transform_indices = #map2}]} {
    %mul3A = arith.constant 16 : i32
    %mul3A_0 = arith.muli %arg0, %mul3A : i32
    %add3A = arith.addi %mul3A_0, %arg1 : i32
    %mul3A_1 = arith.constant 640 : i32
    %mul3A_2 = arith.muli %arg1, %mul3A_1 : i32
    "tpu.region"() ({
      %run_scoped3A = tpu.sem_alloc : memref<!tpu.dma_semaphore, #tpu.memory_space<semaphore_mem>>
      %dma_start3A = arith.constant 0 : i32
      %dma_start3A_11 = tpu.memref_slice %arg6[%mul3A_2, %dma_start3A] : memref<10240x128xf32, #tpu.memory_space<vmem_shared>> -> memref<640x128xf32, #tpu.memory_space<vmem_shared>>
      %dma_start3A_12 = arith.constant 0 : i32
      %dma_start3A_13 = tpu.memref_slice %arg3[%mul3A_2, %dma_start3A_12] : memref<10240x128xf32, #tpu.memory_space<hbm>> -> memref<640x128xf32, #tpu.memory_space<hbm>>
      tpu.enqueue_dma source(%dma_start3A_13 : memref<640x128xf32, #tpu.memory_space<hbm>>) target(%dma_start3A_11 : memref<640x128xf32, #tpu.memory_space<vmem_shared>>) target_semaphore(%run_scoped3A : memref<!tpu.dma_semaphore, #tpu.memory_space<semaphore_mem>>)
      %dma_wait3A = arith.constant 0 : i32
      %dma_wait3A_14 = tpu.memref_slice %arg6[%mul3A_2, %dma_wait3A] : memref<10240x128xf32, #tpu.memory_space<vmem_shared>> -> memref<640x128xf32, #tpu.memory_space<vmem_shared>>
      %dma_wait3A_15 = arith.constant 0 : i32
      %dma_wait3A_16 = tpu.memref_slice %arg3[%mul3A_2, %dma_wait3A_15] : memref<10240x128xf32, #tpu.memory_space<hbm>> -> memref<640x128xf32, #tpu.memory_space<hbm>>
      tpu.wait_dma2 semaphore(%run_scoped3A : memref<!tpu.dma_semaphore, #tpu.memory_space<semaphore_mem>>) src(%dma_wait3A_16 : memref<640x128xf32, #tpu.memory_space<hbm>>) dst(%dma_wait3A_14 : memref<640x128xf32, #tpu.memory_space<vmem_shared>>)
      tpu.yield
    }) : () -> ()
    "tpu.region"() ({
      %run_scoped3A = tpu.sem_alloc : memref<!tpu.dma_semaphore, #tpu.memory_space<semaphore_mem>>
      tpu.enqueue_dma source(%arg4 : memref<128x128xf32, #tpu.memory_space<hbm>>) target(%arg8 : memref<128x128xf32, #tpu.memory_space<vmem>>) target_semaphore(%run_scoped3A : memref<!tpu.dma_semaphore, #tpu.memory_space<semaphore_mem>>)
      tpu.wait_dma2 semaphore(%run_scoped3A : memref<!tpu.dma_semaphore, #tpu.memory_space<semaphore_mem>>) src(%arg4 : memref<128x128xf32, #tpu.memory_space<hbm>>) dst(%arg8 : memref<128x128xf32, #tpu.memory_space<vmem>>)
      tpu.yield
    }) : () -> ()
    %barrier3A = arith.constant 0 : index
    tpu.barrier barrier_id(%barrier3A)
    %mul3A_3 = arith.constant 10112 : i32
    %mul3A_4 = arith.muli %add3A, %mul3A_3 : i32
    %scan3A = arith.constant 0 : i32
    %scan3A_5 = arith.constant 0 : i32
    %scan3A_6 = arith.constant 79 : i32
    %scan3A_7 = arith.addi %scan3A_5, %scan3A_6 : i32
    %scan3A_8 = arith.constant 1 : i32
    scf.for %scan3A_11 = %scan3A_5 to %scan3A_7 step %scan3A_8  : i32 {
      %mul3A_12 = arith.constant 128 : i32
      %mul3A_13 = arith.muli %scan3A_11, %mul3A_12 : i32
      %add3A_14 = arith.addi %mul3A_4, %mul3A_13 : i32
      %multiple_of3A = tpu.assume_multiple %add3A_14, 128 : i32
      "tpu.region"() ({
        %run_scoped3A = tpu.sem_alloc : memref<!tpu.dma_semaphore, #tpu.memory_space<semaphore_mem>>
        %dma_start3A = tpu.memref_slice %arg2[%multiple_of3A] : memref<323584xi32, #tpu.memory_space<hbm>> -> memref<128xi32, #tpu.memory_space<hbm>>
        %dma_start3A_15 = tpu.memref_slice %arg2[%multiple_of3A] : memref<323584xi32, #tpu.memory_space<hbm>> -> memref<128xi32, #tpu.memory_space<hbm>>
        tpu.enqueue_dma source(%dma_start3A_15 : memref<128xi32, #tpu.memory_space<hbm>>) target(%arg7 : memref<128xi32, #tpu.memory_space<vmem>>) target_semaphore(%run_scoped3A : memref<!tpu.dma_semaphore, #tpu.memory_space<semaphore_mem>>)
        %dma_wait3A = tpu.memref_slice %arg2[%multiple_of3A] : memref<323584xi32, #tpu.memory_space<hbm>> -> memref<128xi32, #tpu.memory_space<hbm>>
        %dma_wait3A_16 = tpu.memref_slice %arg2[%multiple_of3A] : memref<323584xi32, #tpu.memory_space<hbm>> -> memref<128xi32, #tpu.memory_space<hbm>>
        tpu.wait_dma2 semaphore(%run_scoped3A : memref<!tpu.dma_semaphore, #tpu.memory_space<semaphore_mem>>) src(%dma_wait3A_16 : memref<128xi32, #tpu.memory_space<hbm>>) dst(%arg7 : memref<128xi32, #tpu.memory_space<vmem>>)
        tpu.yield
      }) : () -> ()
      "tpu.region"() ({
        %run_scoped3A = tpu.sem_alloc : memref<!tpu.dma_semaphore, #tpu.memory_space<semaphore_mem>>
        %dma_start3A = arith.constant 0 : i32
        %dma_start3A_15 = arith.constant 0 : i32
        %dma_start3A_16 = tpu.memref_slice %arg6[%dma_start3A, %dma_start3A_15] : memref<10240x128xf32, #tpu.memory_space<vmem_shared>> -> memref<10240x128xf32, #tpu.memory_space<vmem_shared>>
        tpu.enqueue_indirect_dma source(%arg8 : memref<128x128xf32, #tpu.memory_space<vmem>>) target(%dma_start3A_16 : memref<10240x128xf32, #tpu.memory_space<vmem_shared>>) offsets(%arg7 : memref<128xi32, #tpu.memory_space<vmem>>) semaphore(%run_scoped3A : memref<!tpu.dma_semaphore, #tpu.memory_space<semaphore_mem>>) {add = true}
        %dma_wait3A = arith.constant 0 : i32
        %dma_wait3A_17 = arith.constant 0 : i32
        %dma_wait3A_18 = tpu.memref_slice %arg6[%dma_wait3A, %dma_wait3A_17] : memref<10240x128xf32, #tpu.memory_space<vmem_shared>> -> memref<10240x128xf32, #tpu.memory_space<vmem_shared>>
        tpu.wait_indirect_dma semaphore(%run_scoped3A : memref<!tpu.dma_semaphore, #tpu.memory_space<semaphore_mem>>) src(%arg8 : memref<128x128xf32, #tpu.memory_space<vmem>>) dst(%dma_wait3A_18 : memref<10240x128xf32, #tpu.memory_space<vmem_shared>>)
        tpu.yield
      }) : () -> ()
    }
    %scan3A_9 = arith.constant 79 : i32
    %barrier3A_10 = arith.constant 0 : index
    tpu.barrier barrier_id(%barrier3A_10)
    "tpu.region"() ({
      %run_scoped3A = tpu.sem_alloc : memref<!tpu.dma_semaphore, #tpu.memory_space<semaphore_mem>>
      %dma_start3A = arith.constant 0 : i32
      %dma_start3A_11 = tpu.memref_slice %arg5[%arg0, %mul3A_2, %dma_start3A] : memref<2x10240x128xf32, #tpu.memory_space<hbm>> -> memref<1x640x128xf32, #tpu.memory_space<hbm>>
      %dma_start3A_12 = tpu.memref_squeeze %dma_start3A_11 : memref<1x640x128xf32, #tpu.memory_space<hbm>> -> memref<640x128xf32, #tpu.memory_space<hbm>>
      %dma_start3A_13 = arith.constant 0 : i32
      %dma_start3A_14 = tpu.memref_slice %arg6[%mul3A_2, %dma_start3A_13] : memref<10240x128xf32, #tpu.memory_space<vmem_shared>> -> memref<640x128xf32, #tpu.memory_space<vmem_shared>>
      tpu.enqueue_dma source(%dma_start3A_14 : memref<640x128xf32, #tpu.memory_space<vmem_shared>>) target(%dma_start3A_12 : memref<640x128xf32, #tpu.memory_space<hbm>>) target_semaphore(%run_scoped3A : memref<!tpu.dma_semaphore, #tpu.memory_space<semaphore_mem>>)
      %dma_wait3A = arith.constant 0 : i32
      %dma_wait3A_15 = tpu.memref_slice %arg5[%arg0, %mul3A_2, %dma_wait3A] : memref<2x10240x128xf32, #tpu.memory_space<hbm>> -> memref<1x640x128xf32, #tpu.memory_space<hbm>>
      %dma_wait3A_16 = tpu.memref_squeeze %dma_wait3A_15 : memref<1x640x128xf32, #tpu.memory_space<hbm>> -> memref<640x128xf32, #tpu.memory_space<hbm>>
      %dma_wait3A_17 = arith.constant 0 : i32
      %dma_wait3A_18 = tpu.memref_slice %arg6[%mul3A_2, %dma_wait3A_17] : memref<10240x128xf32, #tpu.memory_space<vmem_shared>> -> memref<640x128xf32, #tpu.memory_space<vmem_shared>>
      tpu.wait_dma2 semaphore(%run_scoped3A : memref<!tpu.dma_semaphore, #tpu.memory_space<semaphore_mem>>) src(%dma_wait3A_18 : memref<640x128xf32, #tpu.memory_space<vmem_shared>>) dst(%dma_wait3A_16 : memref<640x128xf32, #tpu.memory_space<hbm>>)
      tpu.yield
    }) : () -> ()
    return
  }
}

#map = affine_map<(d0, d1) -> (0, 0)>
#map1 = affine_map<(d0, d1) -> (0)>
#map2 = affine_map<(d0, d1) -> (0, 0, 0)>
module attributes {stable_mosaic.version = 14 : i64} {
  func.func @body(%arg0: i32, %arg1: i32, %arg2: memref<10240x128xf32, #tpu.memory_space<hbm>>, %arg3: memref<323584xi32, #tpu.memory_space<hbm>>, %arg4: memref<323584xi32, #tpu.memory_space<hbm>>, %arg5: memref<10240x128xf32, #tpu.memory_space<hbm>>, %arg6: memref<2x10240x128xf32, #tpu.memory_space<hbm>>, %arg7: memref<10240x128xf32, #tpu.memory_space<vmem_shared>>, %arg8: memref<128xi32, #tpu.memory_space<vmem>>, %arg9: memref<128xi32, #tpu.memory_space<vmem>>, %arg10: memref<128x128xf32, #tpu.memory_space<vmem>>, %arg11: memref<!tpu.dma_semaphore, #tpu.memory_space<semaphore_mem>>) attributes {dimension_semantics = [#tpu.dimension_semantics<core_parallel>, #tpu.dimension_semantics<subcore_parallel>], iteration_bounds = array<i64: 2, 16>, scalar_prefetch = 0 : i64, scratch_operands = 5 : i64, tpu.core_type = #tpu.core_type<sc_vector_subcore>, window_params = [{transform_indices = #map}, {transform_indices = #map1}, {transform_indices = #map1}, {transform_indices = #map}, {transform_indices = #map2}]} {
    %mul3A = arith.constant 16 : i32
    %mul3A_0 = arith.muli %arg0, %mul3A : i32
    %add3A = arith.addi %mul3A_0, %arg1 : i32
    %mul3A_1 = arith.constant 640 : i32
    %mul3A_2 = arith.muli %arg1, %mul3A_1 : i32
    "tpu.region"() ({
      %run_scoped3A = tpu.sem_alloc : memref<!tpu.dma_semaphore, #tpu.memory_space<semaphore_mem>>
      %dma_start3A = arith.constant 0 : i32
      %dma_start3A_11 = tpu.memref_slice %arg7[%mul3A_2, %dma_start3A] : memref<10240x128xf32, #tpu.memory_space<vmem_shared>> -> memref<640x128xf32, #tpu.memory_space<vmem_shared>>
      %dma_start3A_12 = arith.constant 0 : i32
      %dma_start3A_13 = tpu.memref_slice %arg5[%mul3A_2, %dma_start3A_12] : memref<10240x128xf32, #tpu.memory_space<hbm>> -> memref<640x128xf32, #tpu.memory_space<hbm>>
      tpu.enqueue_dma source(%dma_start3A_13 : memref<640x128xf32, #tpu.memory_space<hbm>>) target(%dma_start3A_11 : memref<640x128xf32, #tpu.memory_space<vmem_shared>>) target_semaphore(%run_scoped3A : memref<!tpu.dma_semaphore, #tpu.memory_space<semaphore_mem>>)
      %dma_wait3A = arith.constant 0 : i32
      %dma_wait3A_14 = tpu.memref_slice %arg7[%mul3A_2, %dma_wait3A] : memref<10240x128xf32, #tpu.memory_space<vmem_shared>> -> memref<640x128xf32, #tpu.memory_space<vmem_shared>>
      %dma_wait3A_15 = arith.constant 0 : i32
      %dma_wait3A_16 = tpu.memref_slice %arg5[%mul3A_2, %dma_wait3A_15] : memref<10240x128xf32, #tpu.memory_space<hbm>> -> memref<640x128xf32, #tpu.memory_space<hbm>>
      tpu.wait_dma2 semaphore(%run_scoped3A : memref<!tpu.dma_semaphore, #tpu.memory_space<semaphore_mem>>) src(%dma_wait3A_16 : memref<640x128xf32, #tpu.memory_space<hbm>>) dst(%dma_wait3A_14 : memref<640x128xf32, #tpu.memory_space<vmem_shared>>)
      tpu.yield
    }) : () -> ()
    %barrier3A = arith.constant 0 : index
    tpu.barrier barrier_id(%barrier3A)
    %mul3A_3 = arith.constant 10112 : i32
    %mul3A_4 = arith.muli %add3A, %mul3A_3 : i32
    %scan3A = arith.constant 0 : i32
    %scan3A_5 = arith.constant 0 : i32
    %scan3A_6 = arith.constant 79 : i32
    %scan3A_7 = arith.addi %scan3A_5, %scan3A_6 : i32
    %scan3A_8 = arith.constant 1 : i32
    scf.for %scan3A_11 = %scan3A_5 to %scan3A_7 step %scan3A_8  : i32 {
      %mul3A_12 = arith.constant 128 : i32
      %mul3A_13 = arith.muli %scan3A_11, %mul3A_12 : i32
      %add3A_14 = arith.addi %mul3A_4, %mul3A_13 : i32
      %multiple_of3A = tpu.assume_multiple %add3A_14, 128 : i32
      "tpu.region"() ({
        %run_scoped3A = tpu.sem_alloc : memref<!tpu.dma_semaphore, #tpu.memory_space<semaphore_mem>>
        %dma_start3A_19 = tpu.memref_slice %arg3[%multiple_of3A] : memref<323584xi32, #tpu.memory_space<hbm>> -> memref<128xi32, #tpu.memory_space<hbm>>
        %dma_start3A_20 = tpu.memref_slice %arg3[%multiple_of3A] : memref<323584xi32, #tpu.memory_space<hbm>> -> memref<128xi32, #tpu.memory_space<hbm>>
        tpu.enqueue_dma source(%dma_start3A_20 : memref<128xi32, #tpu.memory_space<hbm>>) target(%arg8 : memref<128xi32, #tpu.memory_space<vmem>>) target_semaphore(%run_scoped3A : memref<!tpu.dma_semaphore, #tpu.memory_space<semaphore_mem>>)
        %dma_wait3A_21 = tpu.memref_slice %arg3[%multiple_of3A] : memref<323584xi32, #tpu.memory_space<hbm>> -> memref<128xi32, #tpu.memory_space<hbm>>
        %dma_wait3A_22 = tpu.memref_slice %arg3[%multiple_of3A] : memref<323584xi32, #tpu.memory_space<hbm>> -> memref<128xi32, #tpu.memory_space<hbm>>
        tpu.wait_dma2 semaphore(%run_scoped3A : memref<!tpu.dma_semaphore, #tpu.memory_space<semaphore_mem>>) src(%dma_wait3A_22 : memref<128xi32, #tpu.memory_space<hbm>>) dst(%arg8 : memref<128xi32, #tpu.memory_space<vmem>>)
        tpu.yield
      }) : () -> ()
      %dma_start3A = arith.constant 0 : i32
      %dma_start3A_15 = arith.constant 0 : i32
      %dma_start3A_16 = tpu.memref_slice %arg2[%dma_start3A, %dma_start3A_15] : memref<10240x128xf32, #tpu.memory_space<hbm>> -> memref<10240x128xf32, #tpu.memory_space<hbm>>
      tpu.enqueue_indirect_dma source(%dma_start3A_16 : memref<10240x128xf32, #tpu.memory_space<hbm>>) target(%arg10 : memref<128x128xf32, #tpu.memory_space<vmem>>) offsets(%arg8 : memref<128xi32, #tpu.memory_space<vmem>>) semaphore(%arg11 : memref<!tpu.dma_semaphore, #tpu.memory_space<semaphore_mem>>)
      %dma_wait3A = arith.constant 0 : i32
      %dma_wait3A_17 = arith.constant 0 : i32
      %dma_wait3A_18 = tpu.memref_slice %arg2[%dma_wait3A, %dma_wait3A_17] : memref<10240x128xf32, #tpu.memory_space<hbm>> -> memref<10240x128xf32, #tpu.memory_space<hbm>>
      tpu.wait_indirect_dma semaphore(%arg11 : memref<!tpu.dma_semaphore, #tpu.memory_space<semaphore_mem>>) src(%dma_wait3A_18 : memref<10240x128xf32, #tpu.memory_space<hbm>>) dst(%arg10 : memref<128x128xf32, #tpu.memory_space<vmem>>)
      "tpu.region"() ({
        %run_scoped3A = tpu.sem_alloc : memref<!tpu.dma_semaphore, #tpu.memory_space<semaphore_mem>>
        %dma_start3A_19 = tpu.memref_slice %arg4[%multiple_of3A] : memref<323584xi32, #tpu.memory_space<hbm>> -> memref<128xi32, #tpu.memory_space<hbm>>
        %dma_start3A_20 = tpu.memref_slice %arg4[%multiple_of3A] : memref<323584xi32, #tpu.memory_space<hbm>> -> memref<128xi32, #tpu.memory_space<hbm>>
        tpu.enqueue_dma source(%dma_start3A_20 : memref<128xi32, #tpu.memory_space<hbm>>) target(%arg9 : memref<128xi32, #tpu.memory_space<vmem>>) target_semaphore(%run_scoped3A : memref<!tpu.dma_semaphore, #tpu.memory_space<semaphore_mem>>)
        %dma_wait3A_21 = tpu.memref_slice %arg4[%multiple_of3A] : memref<323584xi32, #tpu.memory_space<hbm>> -> memref<128xi32, #tpu.memory_space<hbm>>
        %dma_wait3A_22 = tpu.memref_slice %arg4[%multiple_of3A] : memref<323584xi32, #tpu.memory_space<hbm>> -> memref<128xi32, #tpu.memory_space<hbm>>
        tpu.wait_dma2 semaphore(%run_scoped3A : memref<!tpu.dma_semaphore, #tpu.memory_space<semaphore_mem>>) src(%dma_wait3A_22 : memref<128xi32, #tpu.memory_space<hbm>>) dst(%arg9 : memref<128xi32, #tpu.memory_space<vmem>>)
        tpu.yield
      }) : () -> ()
      "tpu.region"() ({
        %run_scoped3A = tpu.sem_alloc : memref<!tpu.dma_semaphore, #tpu.memory_space<semaphore_mem>>
        %dma_start3A_19 = arith.constant 0 : i32
        %dma_start3A_20 = arith.constant 0 : i32
        %dma_start3A_21 = tpu.memref_slice %arg7[%dma_start3A_19, %dma_start3A_20] : memref<10240x128xf32, #tpu.memory_space<vmem_shared>> -> memref<10240x128xf32, #tpu.memory_space<vmem_shared>>
        tpu.enqueue_indirect_dma source(%arg10 : memref<128x128xf32, #tpu.memory_space<vmem>>) target(%dma_start3A_21 : memref<10240x128xf32, #tpu.memory_space<vmem_shared>>) offsets(%arg9 : memref<128xi32, #tpu.memory_space<vmem>>) semaphore(%run_scoped3A : memref<!tpu.dma_semaphore, #tpu.memory_space<semaphore_mem>>) {add = true}
        %dma_wait3A_22 = arith.constant 0 : i32
        %dma_wait3A_23 = arith.constant 0 : i32
        %dma_wait3A_24 = tpu.memref_slice %arg7[%dma_wait3A_22, %dma_wait3A_23] : memref<10240x128xf32, #tpu.memory_space<vmem_shared>> -> memref<10240x128xf32, #tpu.memory_space<vmem_shared>>
        tpu.wait_indirect_dma semaphore(%run_scoped3A : memref<!tpu.dma_semaphore, #tpu.memory_space<semaphore_mem>>) src(%arg10 : memref<128x128xf32, #tpu.memory_space<vmem>>) dst(%dma_wait3A_24 : memref<10240x128xf32, #tpu.memory_space<vmem_shared>>)
        tpu.yield
      }) : () -> ()
    }
    %scan3A_9 = arith.constant 79 : i32
    %barrier3A_10 = arith.constant 0 : index
    tpu.barrier barrier_id(%barrier3A_10)
    "tpu.region"() ({
      %run_scoped3A = tpu.sem_alloc : memref<!tpu.dma_semaphore, #tpu.memory_space<semaphore_mem>>
      %dma_start3A = arith.constant 0 : i32
      %dma_start3A_11 = tpu.memref_slice %arg6[%arg0, %mul3A_2, %dma_start3A] : memref<2x10240x128xf32, #tpu.memory_space<hbm>> -> memref<1x640x128xf32, #tpu.memory_space<hbm>>
      %dma_start3A_12 = tpu.memref_squeeze %dma_start3A_11 : memref<1x640x128xf32, #tpu.memory_space<hbm>> -> memref<640x128xf32, #tpu.memory_space<hbm>>
      %dma_start3A_13 = arith.constant 0 : i32
      %dma_start3A_14 = tpu.memref_slice %arg7[%mul3A_2, %dma_start3A_13] : memref<10240x128xf32, #tpu.memory_space<vmem_shared>> -> memref<640x128xf32, #tpu.memory_space<vmem_shared>>
      tpu.enqueue_dma source(%dma_start3A_14 : memref<640x128xf32, #tpu.memory_space<vmem_shared>>) target(%dma_start3A_12 : memref<640x128xf32, #tpu.memory_space<hbm>>) target_semaphore(%run_scoped3A : memref<!tpu.dma_semaphore, #tpu.memory_space<semaphore_mem>>)
      %dma_wait3A = arith.constant 0 : i32
      %dma_wait3A_15 = tpu.memref_slice %arg6[%arg0, %mul3A_2, %dma_wait3A] : memref<2x10240x128xf32, #tpu.memory_space<hbm>> -> memref<1x640x128xf32, #tpu.memory_space<hbm>>
      %dma_wait3A_16 = tpu.memref_squeeze %dma_wait3A_15 : memref<1x640x128xf32, #tpu.memory_space<hbm>> -> memref<640x128xf32, #tpu.memory_space<hbm>>
      %dma_wait3A_17 = arith.constant 0 : i32
      %dma_wait3A_18 = tpu.memref_slice %arg7[%mul3A_2, %dma_wait3A_17] : memref<10240x128xf32, #tpu.memory_space<vmem_shared>> -> memref<640x128xf32, #tpu.memory_space<vmem_shared>>
      tpu.wait_dma2 semaphore(%run_scoped3A : memref<!tpu.dma_semaphore, #tpu.memory_space<semaphore_mem>>) src(%dma_wait3A_18 : memref<640x128xf32, #tpu.memory_space<vmem_shared>>) dst(%dma_wait3A_16 : memref<640x128xf32, #tpu.memory_space<hbm>>)
      tpu.yield
    }) : () -> ()
    return
  }
}

module attributes {stable_mosaic.version = 14 : i64} {
  func.func @body(%arg0: memref<2x10240x128xf32, #tpu.memory_space<vmem>>, %arg1: memref<2x10240x128xf32, #tpu.memory_space<vmem>>, %arg2: memref<10240x128xf32, #tpu.memory_space<vmem>>, %arg3: memref<128x128xf32, #tpu.memory_space<vmem>>, %arg4: memref<1x128xf32, #tpu.memory_space<vmem>>, %arg5: memref<128x128xf32, #tpu.memory_space<vmem>>, %arg6: memref<128x128xf32, #tpu.memory_space<vmem>>, %arg7: memref<128x128xf32, #tpu.memory_space<vmem>>, %arg8: memref<1x128xf32, #tpu.memory_space<vmem>>, %arg9: memref<10240x128xf32, #tpu.memory_space<vmem>>, %arg10: memref<10240x128xf32, #tpu.memory_space<vmem>>) attributes {dimension_semantics = [], scalar_prefetch = 0 : i64, scratch_operands = 0 : i64, tpu.core_type = #tpu.core_type<tc>} {
    %get3A = arith.constant 0 : index
    %get3A_0 = arith.constant 0 : index
    %get3A_1 = arith.constant 0 : index
    %get3A_2 = vector.load %arg0[%get3A, %get3A_0, %get3A_1] : memref<2x10240x128xf32, #tpu.memory_space<vmem>>, vector<1x10240x128xf32>
    %get3A_3 = vector.shape_cast %get3A_2 : vector<1x10240x128xf32> to vector<10240x128xf32>
    %get3A_4 = arith.constant 1 : index
    %get3A_5 = arith.constant 0 : index
    %get3A_6 = arith.constant 0 : index
    %get3A_7 = vector.load %arg0[%get3A_4, %get3A_5, %get3A_6] : memref<2x10240x128xf32, #tpu.memory_space<vmem>>, vector<1x10240x128xf32>
    %get3A_8 = vector.shape_cast %get3A_7 : vector<1x10240x128xf32> to vector<10240x128xf32>
    %add3A = arith.addf %get3A_3, %get3A_8 : vector<10240x128xf32>
    %get3A_9 = arith.constant 0 : index
    %get3A_10 = arith.constant 0 : index
    %get3A_11 = arith.constant 0 : index
    %get3A_12 = vector.load %arg1[%get3A_9, %get3A_10, %get3A_11] : memref<2x10240x128xf32, #tpu.memory_space<vmem>>, vector<1x10240x1xf32>
    %get3A_13 = vector.shape_cast %get3A_12 : vector<1x10240x1xf32> to vector<10240x1xf32>
    %get3A_14 = arith.constant 1 : index
    %get3A_15 = arith.constant 0 : index
    %get3A_16 = arith.constant 0 : index
    %get3A_17 = vector.load %arg1[%get3A_14, %get3A_15, %get3A_16] : memref<2x10240x128xf32, #tpu.memory_space<vmem>>, vector<1x10240x1xf32>
    %get3A_18 = vector.shape_cast %get3A_17 : vector<1x10240x1xf32> to vector<10240x1xf32>
    %add3A_19 = arith.addf %get3A_13, %get3A_18 : vector<10240x1xf32>
    %max3A = arith.constant 1.000000e+00 : f32
    %max3A_20 = vector.broadcast %max3A : f32 to vector<10240x1xf32>
    %max3A_21 = arith.maximumf %add3A_19, %max3A_20 : vector<10240x1xf32>
    %div3A = vector.broadcast %max3A_21 : vector<10240x1xf32> to vector<10240x128xf32>
    %div3A_22 = arith.divf %add3A, %div3A : vector<10240x128xf32>
    %get3A_23 = arith.constant 0 : index
    %get3A_24 = arith.constant 0 : index
    %get3A_25 = vector.load %arg3[%get3A_23, %get3A_24] : memref<128x128xf32, #tpu.memory_space<vmem>>, vector<128x128xf32>
    %dot_general3A = arith.constant dense<0.000000e+00> : vector<10240x128xf32>
    %dot_general3A_26 = tpu.matmul %div3A_22, %get3A_25, %dot_general3A {dimension_numbers = #tpu.dot_dimension_numbers<[1], [0], [0], [1], [0, 0, 1, 1], [], []>, transpose_lhs_hint = false} : vector<10240x128xf32>, vector<128x128xf32>, vector<10240x128xf32> -> vector<10240x128xf32>
    %get3A_27 = arith.constant 0 : index
    %get3A_28 = arith.constant 0 : index
    %get3A_29 = vector.load %arg4[%get3A_27, %get3A_28] : memref<1x128xf32, #tpu.memory_space<vmem>>, vector<1x128xf32>
    %add3A_30 = vector.broadcast %get3A_29 : vector<1x128xf32> to vector<10240x128xf32>
    %add3A_31 = arith.addf %dot_general3A_26, %add3A_30 : vector<10240x128xf32>
    %get3A_32 = arith.constant 0 : index
    %get3A_33 = arith.constant 0 : index
    %get3A_34 = vector.load %arg2[%get3A_32, %get3A_33] : memref<10240x128xf32, #tpu.memory_space<vmem>>, vector<10240x128xf32>
    %get3A_35 = arith.constant 0 : index
    %get3A_36 = arith.constant 0 : index
    %get3A_37 = vector.load %arg5[%get3A_35, %get3A_36] : memref<128x128xf32, #tpu.memory_space<vmem>>, vector<128x128xf32>
    %dot_general3A_38 = arith.constant dense<0.000000e+00> : vector<10240x128xf32>
    %dot_general3A_39 = tpu.matmul %get3A_34, %get3A_37, %dot_general3A_38 {dimension_numbers = #tpu.dot_dimension_numbers<[1], [0], [0], [1], [0, 0, 1, 1], [], []>, transpose_lhs_hint = false} : vector<10240x128xf32>, vector<128x128xf32>, vector<10240x128xf32> -> vector<10240x128xf32>
    %add3A_40 = arith.addf %add3A_31, %dot_general3A_39 : vector<10240x128xf32>
    %ge3A = arith.constant 0.000000e+00 : f32
    %ge3A_41 = vector.broadcast %ge3A : f32 to vector<10240x128xf32>
    %ge3A_42 = arith.cmpf oge, %add3A_40, %ge3A_41 : vector<10240x128xf32>
    %mul3A = arith.constant 0.00999999977 : f32
    %mul3A_43 = vector.broadcast %mul3A : f32 to vector<10240x128xf32>
    %mul3A_44 = arith.mulf %mul3A_43, %add3A_40 : vector<10240x128xf32>
    %select_n3A = arith.select %ge3A_42, %add3A_40, %mul3A_44 : vector<10240x128xi1>, vector<10240x128xf32>
    %get3A_45 = arith.constant 0 : index
    %get3A_46 = arith.constant 0 : index
    %get3A_47 = vector.load %arg6[%get3A_45, %get3A_46] : memref<128x128xf32, #tpu.memory_space<vmem>>, vector<128x128xf32>
    %dot_general3A_48 = arith.constant dense<0.000000e+00> : vector<10240x128xf32>
    %dot_general3A_49 = tpu.matmul %select_n3A, %get3A_47, %dot_general3A_48 {dimension_numbers = #tpu.dot_dimension_numbers<[1], [0], [0], [1], [0, 0, 1, 1], [], []>, transpose_lhs_hint = false} : vector<10240x128xf32>, vector<128x128xf32>, vector<10240x128xf32> -> vector<10240x128xf32>
    %swap3A = arith.constant 0 : index
    %swap3A_50 = arith.constant 0 : index
    %swap3A_51 = vector.load %arg9[%swap3A, %swap3A_50] : memref<10240x128xf32, #tpu.memory_space<vmem>>, vector<10240x128xf32>
    tpu.vector_store %arg9[%swap3A, %swap3A_50], %dot_general3A_49 {strides = array<i32>} : memref<10240x128xf32, #tpu.memory_space<vmem>>, vector<10240x128xf32>,
    %get3A_52 = arith.constant 0 : index
    %get3A_53 = arith.constant 0 : index
    %get3A_54 = vector.load %arg7[%get3A_52, %get3A_53] : memref<128x128xf32, #tpu.memory_space<vmem>>, vector<128x128xf32>
    %dot_general3A_55 = arith.constant dense<0.000000e+00> : vector<10240x128xf32>
    %dot_general3A_56 = tpu.matmul %select_n3A, %get3A_54, %dot_general3A_55 {dimension_numbers = #tpu.dot_dimension_numbers<[1], [0], [0], [1], [0, 0, 1, 1], [], []>, transpose_lhs_hint = false} : vector<10240x128xf32>, vector<128x128xf32>, vector<10240x128xf32> -> vector<10240x128xf32>
    %get3A_57 = arith.constant 0 : index
    %get3A_58 = arith.constant 0 : index
    %get3A_59 = vector.load %arg8[%get3A_57, %get3A_58] : memref<1x128xf32, #tpu.memory_space<vmem>>, vector<1x128xf32>
    %add3A_60 = vector.broadcast %get3A_59 : vector<1x128xf32> to vector<10240x128xf32>
    %add3A_61 = arith.addf %dot_general3A_56, %add3A_60 : vector<10240x128xf32>
    %swap3A_62 = arith.constant 0 : index
    %swap3A_63 = arith.constant 0 : index
    %swap3A_64 = vector.load %arg10[%swap3A_62, %swap3A_63] : memref<10240x128xf32, #tpu.memory_space<vmem>>, vector<10240x128xf32>
    tpu.vector_store %arg10[%swap3A_62, %swap3A_63], %add3A_61 {strides = array<i32>} : memref<10240x128xf32, #tpu.memory_space<vmem>>, vector<10240x128xf32>,
    return
  }
}

module attributes {stable_mosaic.version = 14 : i64} {
  func.func @body(%arg0: memref<2x10240x128xf32, #tpu.memory_space<vmem>>, %arg1: memref<2x10240x128xf32, #tpu.memory_space<vmem>>, %arg2: memref<10240x128xf32, #tpu.memory_space<vmem>>, %arg3: memref<10240x128xf32, #tpu.memory_space<vmem>>) attributes {dimension_semantics = [], scalar_prefetch = 0 : i64, scratch_operands = 0 : i64, tpu.core_type = #tpu.core_type<tc>} {
    %get3A = arith.constant 0 : index
    %get3A_0 = arith.constant 0 : index
    %get3A_1 = arith.constant 0 : index
    %get3A_2 = vector.load %arg0[%get3A, %get3A_0, %get3A_1] : memref<2x10240x128xf32, #tpu.memory_space<vmem>>, vector<1x10240x128xf32>
    %get3A_3 = vector.shape_cast %get3A_2 : vector<1x10240x128xf32> to vector<10240x128xf32>
    %get3A_4 = arith.constant 1 : index
    %get3A_5 = arith.constant 0 : index
    %get3A_6 = arith.constant 0 : index
    %get3A_7 = vector.load %arg0[%get3A_4, %get3A_5, %get3A_6] : memref<2x10240x128xf32, #tpu.memory_space<vmem>>, vector<1x10240x128xf32>
    %get3A_8 = vector.shape_cast %get3A_7 : vector<1x10240x128xf32> to vector<10240x128xf32>
    %add3A = arith.addf %get3A_3, %get3A_8 : vector<10240x128xf32>
    %get3A_9 = arith.constant 0 : index
    %get3A_10 = arith.constant 0 : index
    %get3A_11 = arith.constant 0 : index
    %get3A_12 = vector.load %arg1[%get3A_9, %get3A_10, %get3A_11] : memref<2x10240x128xf32, #tpu.memory_space<vmem>>, vector<1x10240x1xf32>
    %get3A_13 = vector.shape_cast %get3A_12 : vector<1x10240x1xf32> to vector<10240x1xf32>
    %get3A_14 = arith.constant 1 : index
    %get3A_15 = arith.constant 0 : index
    %get3A_16 = arith.constant 0 : index
    %get3A_17 = vector.load %arg1[%get3A_14, %get3A_15, %get3A_16] : memref<2x10240x128xf32, #tpu.memory_space<vmem>>, vector<1x10240x1xf32>
    %get3A_18 = vector.shape_cast %get3A_17 : vector<1x10240x1xf32> to vector<10240x1xf32>
    %add3A_19 = arith.addf %get3A_13, %get3A_18 : vector<10240x1xf32>
    %max3A = arith.constant 1.000000e+00 : f32
    %max3A_20 = vector.broadcast %max3A : f32 to vector<10240x1xf32>
    %max3A_21 = arith.maximumf %add3A_19, %max3A_20 : vector<10240x1xf32>
    %div3A = vector.broadcast %max3A_21 : vector<10240x1xf32> to vector<10240x128xf32>
    %div3A_22 = arith.divf %add3A, %div3A : vector<10240x128xf32>
    %get3A_23 = arith.constant 0 : index
    %get3A_24 = arith.constant 0 : index
    %get3A_25 = vector.load %arg2[%get3A_23, %get3A_24] : memref<10240x128xf32, #tpu.memory_space<vmem>>, vector<10240x128xf32>
    %add3A_26 = arith.addf %div3A_22, %get3A_25 : vector<10240x128xf32>
    %swap3A = arith.constant 0 : index
    %swap3A_27 = arith.constant 0 : index
    %swap3A_28 = vector.load %arg3[%swap3A, %swap3A_27] : memref<10240x128xf32, #tpu.memory_space<vmem>>, vector<10240x128xf32>
    tpu.vector_store %arg3[%swap3A, %swap3A_27], %add3A_26 {strides = array<i32>} : memref<10240x128xf32, #tpu.memory_space<vmem>>, vector<10240x128xf32>,
    return
  }
}

</mosaic_0001>

<sc_bundles>
// kernel: kernel.10.cloned.1.call-start
scs
__scs_entry_jumppad:
0x0: {  	(pc) =	sbr.rel $0x88, $3  }
0x1: {  	(tag) =	ssettag $0x0;
	lr =	simm.s32 $0x1  }
0x2: {  	[smem:$0x3F99] =	sst lr;
	_ =	strace $0xD0000000  }
0x3: {  	_ = 	snop  }
0x4: {  	_ = 	snop  }
0x5: {  	_ = 	snop  }
0x6: {  	_ = 	snop  }
0x7: {  	_ = 	snop  }
__scs_overlays_trampoline_lowered:
0x8: {  	[smem:$0x3FA8] =	sst s0  }
0x9: {  	[smem:$0x3FA9] =	sst s1  }
0xa: {  	[smem:$0x3FAA] =	sst s2  }
0xb: {  	[smem:$0x3FAB] =	sst s3  }
0xc: {  	[smem:$0x3FAC] =	sst s4  }
0xd: {  	[smem:$0x3FAD] =	sst s5  }
0xe: {  	[smem:$0x3FAE] =	sst s6  }
0xf: {  	[smem:$0x3FAF] =	sst s7  }
0x10: {  	[smem:$0x3FB0] =	sst s8  }
0x11: {  	[smem:$0x3FB1] =	sst s9;
	s0 =	simm.s32 @!p0 $0x0  }
0x12: {  	s1 =	sld [smem:$0x3F97];
	s0 =	simm.s32 @p0 $0x1  }
0x13: {  	[smem:$0x3FB2] =	sst s0;
	s0 =	simm.s32 @!p1 $0x0  }
0x14: {  	s2 =	sld [smem:$0x3F96];
	s0 =	simm.s32 @p1 $0x1  }
0x15: {  	[smem:$0x3FB3] =	sst s0;
	s0 =	simm.s32 @!p2 $0x0  }
0x16: {  	s3 =	sld [smem:$0x3FDB];
	s0 =	simm.s32 @p2 $0x1  }
0x17: {  	s4 =	simm.s32 $0x1BF5;
	[smem:$0x3FB5] =	sst s0  }
0x18: {  	s0 =	sld [smem:$0x3F98];
	_ =	swait.ge [sflag:s4], $0x0  }
0x19: {  	s7 =	sld [smem:$0x3F99]  }
0x1a: {  	s8 =	sadd.s32 $0xFFFFE003, lr  }
0x1b: {  	s9 =	sadd.s32 $0xFFFFFEF7, lr;
	s5 =	simm.s32 $0xFFFFFFFF;
	p2 =	slt.u32 s8, $0xFFFFF086  }
0x1c: {  	p1 =	slt.u32 s9, $0xF7A;
	s5 =	simm.s32 @!p2 $0x0  }
0x1d: {  	s5 =	simm.s32 @p1 $0x1;
	p0 =	seq.s32 s7, s2  }
0x1e: {  	s7 =	smul.u32 @!p0 $0xF7A, s2;
	p2 =	seq.s32 @!p0 s5, $0x0  }
0x1f: {  	s9 =	smul.u32 $0xF7A, s1;
	s8 =	simm.s32 @!p0 $0x1BF5;
	p2 =	por !p2, p0  }
0x20: {  	[sflag:s8] =	ssyncset.s32 @!p0 $0xFFFFF086;
	s6 =	sadd.s32 @!p0 s3, s7;
	s7 =	simm.s32 @!p0 $0x108  }
0x21: {  	s3 =	sadd.s32 s3, s9;
	s6 =	sadd.s32 @!p0 $0x88, s6;
	s7 =	simm.s32 @p2 $0x1082  }
0x22: {  	[simem:s7], [sflag:s8] =	dma.local @!p0 [hbm:s6], $0xF7A  }
0x23: {  	s9 =	sor.u32 $0xD0000000, s2;
	s6 =	simm.s32 $0x108;
	_ =	swait.ge @!p0 [sflag:s8], $0x0  }
0x24: {  	s3 =	sadd.s32 $0x88, s3;
	s6 =	simm.s32 @!p1 $0x1082;
	[sflag:s4] =	ssyncset.s32 $0xFFFFF086  }
0x25: {  	[simem:s6], [sflag:s4] =	dma.local [hbm:s3], $0xF7A  }
0x26: {  	[smem:$0x3F99] =	sst s1;
	(tag) =	ssettag s2;
	_ =	strace s9  }
0x27: {  	s1 =	sld [smem:$0x3FA9]  }
0x28: {  	s2 =	sld [smem:$0x3FAA]  }
0x29: {  	s4 =	sld [smem:$0x3FAC]  }
0x2a: {  	p0 =	seq.s32 s5, $0x0;
	s5 =	sld [smem:$0x3FAD]  }
0x2b: {  	s6 =	sld [smem:$0x3FAE]  }
0x2c: {  	s7 =	sld [smem:$0x3FAF]  }
0x2d: {  	s3 =	simm.s32 $0x108;
	s8 =	sld [smem:$0x3FB0]  }
0x2e: {  	s3 =	simm.s32 @!p0 $0x1082;
	s9 =	sld [smem:$0x3FB1]  }
0x2f: {  	lr =	sadd.s32 s0, s3;
	s0 =	sld [smem:$0x3FA8]  }
0x30: {  	s3 =	sld [smem:$0x3FAB]  }
0x31: {  	[smem:$0x3FB4] =	sst s10  }
0x32: {  	s10 =	sld [smem:$0x3FB2];
	_ =	sdelay $0x3  }
0x33: {  	p0 =	seq.s32 s10, $0x1;
	s10 =	sld [smem:$0x3FB4];
	_ =	sdelay $0x3  }
0x34: {  	[smem:$0x3FB4] =	sst s10  }
0x35: {  	s10 =	sld [smem:$0x3FB3];
	_ =	sdelay $0x3  }
0x36: {  	p1 =	seq.s32 s10, $0x1;
	s10 =	sld [smem:$0x3FB4];
	_ =	sdelay $0x3  }
0x37: {  	[smem:$0x3FB4] =	sst s10  }
0x38: {  	s10 =	sld [smem:$0x3FB5]  }
0x39: {  	_ = 	snop;
	(pc) =	sbr.ind lr, $3  }
0x3a: {  	_ = 	snop  }
0x3b: {  	_ = 	snop  }
0x3c: {  	p2 =	seq.s32 s10, $0x1;
	s10 =	sld [smem:$0x3FB4]  }
0x3d: {  	_ =	shalt  }
0x3e: {  	_ =	shalt  }
0x3f: {  	_ =	shalt  }
0x40: {  	_ =	shalt  }
0x41: {  	_ =	shalt  }
0x42: {  	_ =	shalt  }
0x43: {  	_ =	shalt  }
0x44: {  	_ =	shalt  }
0x45: {  	_ =	shalt  }
0x46: {  	_ =	shalt  }
0x47: {  	_ =	shalt  }
0x48: {  	_ =	shalt  }
0x49: {  	_ =	shalt  }
0x4a: {  	_ =	shalt  }
0x4b: {  	_ =	shalt  }
0x4c: {  	_ =	shalt  }
0x4d: {  	_ =	shalt  }
0x4e: {  	_ =	shalt  }
0x4f: {  	_ =	shalt  }
0x50: {  	_ =	shalt  }
0x51: {  	_ =	shalt  }
0x52: {  	_ =	shalt  }
0x53: {  	_ =	shalt  }
0x54: {  	_ =	shalt  }
0x55: {  	_ =	shalt  }
0x56: {  	_ =	shalt  }
0x57: {  	_ =	shalt  }
0x58: {  	_ =	shalt  }
0x59: {  	_ =	shalt  }
0x5a: {  	_ =	shalt  }
0x5b: {  	_ =	shalt  }
0x5c: {  	_ =	shalt  }
0x5d: {  	_ =	shalt  }
0x5e: {  	_ =	shalt  }
0x5f: {  	_ =	shalt  }
0x60: {  	_ =	shalt  }
0x61: {  	_ =	shalt  }
0x62: {  	_ =	shalt  }
0x63: {  	_ =	shalt  }
0x64: {  	_ =	shalt  }
0x65: {  	_ =	shalt  }
0x66: {  	_ =	shalt  }
0x67: {  	_ =	shalt  }
0x68: {  	_ =	shalt  }
0x69: {  	_ =	shalt  }
0x6a: {  	_ =	shalt  }
0x6b: {  	_ =	shalt  }
0x6c: {  	_ =	shalt  }
0x6d: {  	_ =	shalt  }
0x6e: {  	_ =	shalt  }
0x6f: {  	_ =	shalt  }
0x70: {  	_ =	shalt  }
0x71: {  	_ =	shalt  }
0x72: {  	_ =	shalt  }
0x73: {  	_ =	shalt  }
0x74: {  	_ =	shalt  }
0x75: {  	_ =	shalt  }
0x76: {  	_ =	shalt  }
0x77: {  	_ =	shalt  }
0x78: {  	_ =	shalt  }
0x79: {  	_ =	shalt  }
0x7a: {  	_ =	shalt  }
0x7b: {  	_ =	shalt  }
0x7c: {  	_ =	shalt  }
0x7d: {  	_ =	shalt  }
0x7e: {  	_ =	shalt  }
0x7f: {  	_ =	shalt  }
0x80: {  	_ =	shalt  }
0x81: {  	_ =	shalt  }
0x82: {  	_ =	shalt  }
0x83: {  	_ =	shalt  }
0x84: {  	_ =	shalt  }
0x85: {  	_ =	shalt  }
0x86: {  	_ =	shalt  }
0x87: {  	_ =	shalt  }
.Lfunc_end0:
.L_simem_size_0:
called_computation.1_lowered:
.L_overlay_start_0:
0x88: {  	s2 =	sld [smem:$0x3FD9]  }
0x89: {  	s3 =	sld [smem:$0x3FFE];
	_ =	sdelay $0x1  }
0x8a: {  	s1 =	srdreg.scid  }
0x8b: {  	s0 =	sand.u32 $0x1, s1  }
0x8c: {  	s17 =	sshll.u32 s0, $0xA;
	s2 =	sadd.s32 s3, s2  }
0x8d: {  	s2 =	sadd.s32 s2, s17  }
0x8e: {  	[smem:$0x3FC0] =	sst s2  }
0x8f: {  	_ = 	snop  }
0x90: {  	s2 =	sld [smem:$0x3FD0];
	(tm) =	ssettm $0x1  }
0x91: {  	s18 =	sld [smem:$0x3FFB];
	_ =	sdelay $0x3  }
0x92: {  	_ =	strace s18  }
0x93: {  	s3 =	sld [smem:$0x3FFC];
	_ =	sdelay $0x3  }
0x94: {  	_ =	strace s3  }
0x95: {  	s3 =	sld [smem:$0x3FFD];
	_ =	sdelay $0x3  }
0x96: {  	_ =	strace s3  }
0x97: {  	_ =	strace $0x8FFFFFFF  }
0x98: {  	s19 =	sld [smem:$0x3FDB];
	_ =	sdelay $0x1  }
0x99: {  	s4 =	simm.s32 $_scs_section_size  }
0x9a: {  	s5 =	simm.s32 $_size__tile_overlayer_lowered;
	s6 =	simm.s32 $_tile_overlayer_lowered  }
0x9b: {  	s22 =	simm.s32 $0x1BFF;
	s21 =	sshll.u32 s6, $0x1;
	s3 =	sadd.s32 s4, s19  }
0x9c: {  	s7 =	simm.s32 $0x0;
	s20 =	sshll.u32 s5, $0x1;
	s5 =	sadd.s32 s21, s3  }
0x9d: {  	[timem:s7], [sflag:s22] =	dma.local [hbm:s5], s20  }
0x9e: {  	_ =	swait.ge [sflag:s22], s20  }
0x9f: {  	s4 =	ssub.s32 $0x0, s20;
	[sflag:s22] =	ssyncset.done $0x0  }
0xa0: {  	[sflag:s22] =	ssyncadd.s32 s4;
	_ =	sdelay $0x1  }
0xa1: {  	s23 =	simm.s32 $0x1B8B  }
0xa2: {  	_ =	swait.ge [sflag:s23], $0x1  }
0xa3: {  	[sflag:s23] =	ssyncset.done $0x0  }
0xa4: {  	s25 =	simm.s32 $0x1B8E;
	s24 =	sld [smem:$0x3FFE];
	[sflag:s23] =	ssyncadd.s32 $0xFFFFFFFF  }
0xa5: {  	s26 =	simm.s32 $execute0_lowered;
	[smem:$0x3FD2] =	sst s25  }
0xa6: {  	s5 =	sshll.u32 s26, $0x1;
	_ =	strace $0x80000046;
	[dreg:$0x1] =	wrdreg $0xFFFFFFFF  }
0xa7: {  	s28 =	simm.s32 $_size_execute0_lowered;
	s3 =	sadd.s32 s3, s5;
	[dreg:$0x0] =	wrdreg $0x0  }
0xa8: {  	s5 =	sshll.u32 s28, $0x1;
	[dreg:$0x2] =	wrdreg s3  }
0xa9: {  	[dreg:$0x3] =	wrdreg s5  }
0xaa: {  	[dreg:$0x4] =	wrdreg $0xC0  }
0xab: {  	_ =	task [dreg:s7], $0x5FFFF  }
0xac: {  	[dreg:$0x1] =	wrdreg $0xFFFFFFFF  }
0xad: {  	[dreg:$0x0] =	wrdreg $0x60  }
0xae: {  	[dreg:$0x2] =	wrdreg s24  }
0xaf: {  	[dreg:$0x3] =	wrdreg s2  }
0xb0: {  	[dreg:$0x4] =	wrdreg $0x0  }
0xb1: {  	[dreg:$0x5] =	wrdreg $0xA  }
0xb2: {  	_ =	task.clear_ibuf [dreg:s7], $0x6FFFF;
	_ =	strace $0x90000046  }
0xb3: {  	s29 =	simm.s32 $0xA;
	_ =	strace $0x80000048  }
0xb4: {  	_ =	swait.ge [sflag:s29], $0x1  }
0xb5: {  	[sflag:s29] =	ssyncadd.s32 $0xFFFFFFFF  }
0xb6: {  	_ =	strace $0x90000048  }
0xb7: {  	_ =	sfence  }
0xb8: {  	s30 =	sld [smem:$0x0];
	_ =	sdelay $0x2  }
0xb9: {  	s31 =	sshll.u32 s1, $0xD;
	s1 =	sshrl.u32 s1, $0x2  }
0xba: {  	s3 =	sand.u32 $0x4000, s31;
	s1 =	sadd.s32 s1, s30  }
0xbb: {  	s0 =	sor.u32 s3, s0;
	s1 =	sshll.u32 s1, $0x11  }
0xbc: {  	s0 =	sor.u32 s1, s0  }
0xbd: {  	s0 =	sadd.s32 $0x8F2B, s0  }
0xbe: {  	[sflag:s0] =	ssyncadd.remote.s32 $0x1  }
0xbf: {  	_ =	sfence.sel $0xFFFF  }
0xc0: {  	[dreg:$0x0] =	wrdreg $0xFFFFFFFF;
	(pc) =	sbr.abs _section_cstart, $3  }
0xc1: {  	[dreg:$0x1] =	wrdreg $0xFFFFFFFF  }
0xc2: {  	_ =	task.clear_ibuf [dreg:s7], $0x2FFFF;
	_ =	strace $0x9FFFFFFF  }
0xc3: {  	(tm) =	ssettm $0x7FFFFFFF  }
tec
execute0_lowered:
.L_overlay_start_1:
0x0: {  	(tag) =	ssettag $0x1  }
0x1: {  	s5 =	rddreg [dreg:$0x0]  }
0x2: {  	s10 =	rddreg [dreg:$0x1];
	s0 =	srdreg.scid  }
0x3: {  	s2 =	rddreg [dreg:$0x2];
	s1 =	stileid.u32  }
0x4: {  	s3 =	simm.s32 $0x0;
	s16 =	simm.s32 $0x1;
	s7 =	smul.u32 $0x14000, s1  }
0x5: {  	s17 =	simm.s32 $0x14080;
	s18 =	simm.s32 $0x0;
	s28 =	smul.u32 $0x50000, s1  }
0x6: {  	s6 =	sand.u32 $0x1, s0;
	s0 =	rddreg [dreg:$0x3];
	s14 =	smul.u32 $0x4F0, s1  }
0x7: {  	[smem:$0x7FF] =	sst s3;
	s4 =	sadd.s32 $0xBE00, s5;
	s11 =	smul.u32 $0x4F00, s6  }
0x8: {  	s31 =	sshll.u32 s1, $0x6;
	s8 =	smul.u32 $0x140000, s6;
	s6 =	ssub.s32 $0x2, s6  }
0x9: {  	_ =	strace $0x80000047;
	s12 =	sshrl.u32 s7, $0x3;
	s29 =	sshrl.u32 s6, $0x1  }
0xa: {  	s30 =	sshrl.u32 s28, $0x2;
	s9 =	sadd.s32 s11, s5;
	s7 =	sadd.s32 s7, s8  }
0xb: {  	s12 =	sadd.s32 s12, s5;
	s13 =	ssub.s32 s6, s29;
	s15 =	sadd.s32 s30, s2  }
0xc: {  	s6 =	sor.u32 $0x1C02, s31;
	s10 =	sadd.s32 s11, s10;
	s7 =	sshrl.u32 s7, $0x3  }
0xd: {  	s9 =	sadd.s32 s14, s9;
	s8 =	smax.u32 s13, $0x1;
	s10 =	sadd.s32 s14, s10  }
0xe: {  	s11 =	sshrl.u32 s15, $0x3;
	s13 =	simm.s32 $0x14000;
	s14 =	simm.s32 $0x80  }
0xf: {  	s15 =	simm.s32 $0x14100;
	s7 =	sadd.s32 s7, s5;
	s5 =	sadd.s32 $0x33E00, s12  }
0x10: {  	s9 =	sadd.s32 $0x2000, s9;
	s12 =	simm.s32 $0x2;
	s7 =	sadd.s32 $0x5BE00, s7  }
.LBB2_1:
0x11: {  	[spmem:s11], [sflag:s6] =	dma.local [hbm:s5], $0x2800  }
0x12: {  	_ =	swait.ge [sflag:s12], $0x2800  }
0x13: {  	[sflag:s12] =	ssyncset.done $0x0  }
0x14: {  	[sflag:s12] =	ssyncadd.s32 $0xFFFFD800  }
0x15: {  	s19 =	sadd.s32 $0x0, s10;
	[bflag:$0x0] =	sbarrier.arrive $0xFFFF  }
0x16: {  	[tilespmem:s13], [sflag:$0x2] =	stream.linear.gather [hbm4b:s19+s3], $0x80, $0x38;
	[tilespmem:$0x18100] =	vst v63  }
0x17: {  	_ =	swait.ge [sflag:s12], $0x80  }
0x18: {  	[sflag:s12] =	ssyncset.done $0x0  }
0x19: {  	[sflag:s12] =	ssyncadd.s32 $0xFFFFFF80  }
0x1a: {  	[tilespmem:s15], [sflag:$0x1] =	stream.indirect.gather [hbm4b:s4+s14], $0x80, s13, s14, $0xb8;
	[tilespmem:$0x18100] =	vst v63  }
0x1b: {  	_ =	swait.ge [sflag:s16], $0x4000  }
0x1c: {  	[sflag:s16] =	ssyncset.done $0x0  }
0x1d: {  	s31 =	sadd.s32 $0x0, s9;
	[sflag:s16] =	ssyncadd.s32 $0xFFFFC000  }
0x1e: {  	[tilespmem:s17], [sflag:$0x2] =	stream.linear.gather [hbm4b:s31+s3], $0x80, $0x38;
	[tilespmem:$0x18100] =	vst v63  }
0x1f: {  	_ =	swait.ge [sflag:s12], $0x80  }
0x20: {  	[sflag:s12] =	ssyncset.done $0x0  }
0x21: {  	[sflag:s12] =	ssyncadd.s32 $0xFFFFFF80  }
0x22: {  	[spmem:s2] =	stream.indirect.scatter.add.f32 [tilespmem:s15], [sflag:$0x2], $0x80, s17, s14, $0xb8;
	[tilespmem:$0x18100] =	vst v63  }
0x23: {  	_ =	swait.ge [sflag:s12], $0x4000  }
0x24: {  	s20 =	simm.s32 $0x20;
	s19 =	simm.s32 $0x10;
	[sflag:s12] =	ssyncset.done $0x0  }
.LBB2_2:
0x25: {  	s21 =	sadd.s32 s19, s10  }
0x26: {  	[sflag:s12] =	ssyncadd.s32 $0xFFFFC000;
	s22 =	smov.u32 s20;
	s23 =	sadd.s32 $0x10, s20  }
0x27: {  	[tilespmem:s13], [sflag:$0x2] =	stream.linear.gather [hbm4b:s21+s3], $0x80, $0x38;
	[tilespmem:$0x18100] =	vst v63  }
0x28: {  	p0 =	sne.s32 s20, $0x4E0;
	_ =	swait.ge [sflag:s12], $0x80  }
0x29: {  	[sflag:s12] =	ssyncset.done $0x0  }
0x2a: {  	[sflag:s12] =	ssyncadd.s32 $0xFFFFFF80  }
0x2b: {  	[tilespmem:s15], [sflag:$0x1] =	stream.indirect.gather [hbm4b:s4+s14], $0x80, s13, s14, $0xb8;
	[tilespmem:$0x18100] =	vst v63  }
0x2c: {  	_ =	swait.ge [sflag:s16], $0x4000  }
0x2d: {  	[sflag:s16] =	ssyncset.done $0x0  }
0x2e: {  	s20 =	sadd.s32 s19, s9;
	s19 =	smov.u32 s22;
	[sflag:s16] =	ssyncadd.s32 $0xFFFFC000  }
0x2f: {  	[tilespmem:s17], [sflag:$0x2] =	stream.linear.gather [hbm4b:s20+s3], $0x80, $0x38;
	[tilespmem:$0x18100] =	vst v63  }
0x30: {  	_ =	swait.ge [sflag:s12], $0x80  }
.Ltmp0:
0x31: {  	[sflag:s12] =	ssyncset.done $0x0;
	(pc) =	sbr.rel @p0 .LBB2_2-.Ltmp0, $4  }
0x32: {  	[sflag:s12] =	ssyncadd.s32 $0xFFFFFF80  }
0x33: {  	[spmem:s2] =	stream.indirect.scatter.add.f32 [tilespmem:s15], [sflag:$0x2], $0x80, s17, s14, $0xb8;
	[tilespmem:$0x18100] =	vst v63  }
0x34: {  	_ =	swait.ge [sflag:s12], $0x4000  }
0x35: {  	s20 =	smov.u32 s23;
	[sflag:s12] =	ssyncset.done $0x0  }
0x36: {  	s20 =	sadd.s32 s19, s10;
	[sflag:s12] =	ssyncadd.s32 $0xFFFFC000  }
0x37: {  	[tilespmem:s13], [sflag:$0x2] =	stream.linear.gather [hbm4b:s20+s3], $0x80, $0x38;
	[tilespmem:$0x18100] =	vst v63  }
0x38: {  	_ =	swait.ge [sflag:s12], $0x80  }
0x39: {  	[sflag:s12] =	ssyncset.done $0x0  }
0x3a: {  	[sflag:s12] =	ssyncadd.s32 $0xFFFFFF80  }
0x3b: {  	[tilespmem:s15], [sflag:$0x1] =	stream.indirect.gather [hbm4b:s4+s14], $0x80, s13, s14, $0xb8;
	[tilespmem:$0x18100] =	vst v63  }
0x3c: {  	_ =	swait.ge [sflag:s16], $0x4000  }
0x3d: {  	[sflag:s16] =	ssyncset.done $0x0  }
0x3e: {  	s31 =	sadd.s32 s19, s9;
	[sflag:s16] =	ssyncadd.s32 $0xFFFFC000  }
0x3f: {  	[tilespmem:s17], [sflag:$0x2] =	stream.linear.gather [hbm4b:s31+s3], $0x80, $0x38;
	[tilespmem:$0x18100] =	vst v63  }
0x40: {  	_ =	swait.ge [sflag:s12], $0x80  }
0x41: {  	[sflag:s12] =	ssyncset.done $0x0  }
0x42: {  	[sflag:s12] =	ssyncadd.s32 $0xFFFFFF80  }
0x43: {  	[spmem:s2] =	stream.indirect.scatter.add.f32 [tilespmem:s15], [sflag:$0x2], $0x80, s17, s14, $0xb8;
	[tilespmem:$0x18100] =	vst v63  }
0x44: {  	_ =	swait.ge [sflag:s12], $0x4000  }
0x45: {  	s18 =	sadd.s32 $0x1, s18;
	[sflag:s12] =	ssyncset.done $0x0  }
0x46: {  	p0 =	sne.s32 s18, s8;
	[sflag:s12] =	ssyncadd.s32 $0xFFFFC000  }
.Ltmp1:
0x47: {  	[bflag:$0x0] =	sbarrier.arrive $0xFFFF;
	(pc) =	sbr.rel @p0 .LBB2_1-.Ltmp1, $4  }
0x48: {  	[hbm:s7], [sflag:s6] =	dma.local [spmem:s11], $0x2800  }
0x49: {  	_ =	swait.ge [sflag:s12], $0x2800  }
0x4a: {  	[sflag:s12] =	ssyncset.done $0x0  }
0x4b: {  	[sflag:s12] =	ssyncadd.s32 $0xFFFFD800  }
0x4c: {  	_ =	sfence.sel $0x180000  }
0x4d: {  	[bflag:$0x0] =	sbarrier.arrive $0xFFFF  }
0x4e: {  	p0 =	sne.s32 s1, $0x0;
	_ =	strace $0x90000047  }
0x4f: {  	s0 =	sadd.s32 @!p0 $0x100000, s0;
	[bflag:$0x2] =	sbarrier.arrive $0xFFFF  }
0x50: {  	[sflag:s0] =	ssyncadd.tile.s32 @!p0 $0x1;
	_ =	shalt  }
.Lfunc_end2:
_tile_overlayer_lowered:
.L_overlay_start_2:
0x51: {  	(tag) =	ssettag $0x2  }
0x52: {  	s0 =	rddreg [dreg:$0x0];
	s2 =	stileid.u32  }
0x53: {  	s1 =	rddreg [dreg:$0x1];
	p0 =	sne.s32 s2, $0x0  }
0x54: {  	s3 =	rddreg [dreg:$0x2];
	[bflag:$0x3] =	sbarrier.arrive $0xFFFF;
	s2 =	simm.s32 @!p0 $0x1C02  }
0x55: {  	[timem:s3], [sflag:s2] =	dma.local @!p0 [hbm:s0], s1  }
0x56: {  	s0 =	simm.s32 @!p0 $0x2  }
0x57: {  	_ =	swait.ge @!p0 [sflag:s0], s1  }
0x58: {  	s1 =	ssub.s32 @!p0 $0x0, s1;
	[sflag:s0] =	ssyncset.done @!p0 $0x0  }
0x59: {  	[sflag:s0] =	ssyncadd.s32 @!p0 s1  }
0x5a: {  	[bflag:$0x3] =	sbarrier.arrive $0xFFFF  }
0x5b: {  	_ =	shalt  }

// kernel: kernel.13.cloned.1.call-start
scs
__scs_entry_jumppad:
0x0: {  	(pc) =	sbr.rel $0x88, $3  }
0x1: {  	(tag) =	ssettag $0x0;
	lr =	simm.s32 $0x1  }
0x2: {  	[smem:$0x3F99] =	sst lr;
	_ =	strace $0xD0000000  }
0x3: {  	_ = 	snop  }
0x4: {  	_ = 	snop  }
0x5: {  	_ = 	snop  }
0x6: {  	_ = 	snop  }
0x7: {  	_ = 	snop  }
__scs_overlays_trampoline_lowered:
0x8: {  	[smem:$0x3FA8] =	sst s0  }
0x9: {  	[smem:$0x3FA9] =	sst s1  }
0xa: {  	[smem:$0x3FAA] =	sst s2  }
0xb: {  	[smem:$0x3FAB] =	sst s3  }
0xc: {  	[smem:$0x3FAC] =	sst s4  }
0xd: {  	[smem:$0x3FAD] =	sst s5  }
0xe: {  	[smem:$0x3FAE] =	sst s6  }
0xf: {  	[smem:$0x3FAF] =	sst s7  }
0x10: {  	[smem:$0x3FB0] =	sst s8  }
0x11: {  	[smem:$0x3FB1] =	sst s9;
	s0 =	simm.s32 @!p0 $0x0  }
0x12: {  	s1 =	sld [smem:$0x3F97];
	s0 =	simm.s32 @p0 $0x1  }
0x13: {  	[smem:$0x3FB2] =	sst s0;
	s0 =	simm.s32 @!p1 $0x0  }
0x14: {  	s2 =	sld [smem:$0x3F96];
	s0 =	simm.s32 @p1 $0x1  }
0x15: {  	[smem:$0x3FB3] =	sst s0;
	s0 =	simm.s32 @!p2 $0x0  }
0x16: {  	s3 =	sld [smem:$0x3FDB];
	s0 =	simm.s32 @p2 $0x1  }
0x17: {  	s4 =	simm.s32 $0x1BF5;
	[smem:$0x3FB5] =	sst s0  }
0x18: {  	s0 =	sld [smem:$0x3F98];
	_ =	swait.ge [sflag:s4], $0x0  }
0x19: {  	s7 =	sld [smem:$0x3F99]  }
0x1a: {  	s8 =	sadd.s32 $0xFFFFE003, lr  }
0x1b: {  	s9 =	sadd.s32 $0xFFFFFEF7, lr;
	s5 =	simm.s32 $0xFFFFFFFF;
	p2 =	slt.u32 s8, $0xFFFFF086  }
0x1c: {  	p1 =	slt.u32 s9, $0xF7A;
	s5 =	simm.s32 @!p2 $0x0  }
0x1d: {  	s5 =	simm.s32 @p1 $0x1;
	p0 =	seq.s32 s7, s2  }
0x1e: {  	s7 =	smul.u32 @!p0 $0xF7A, s2;
	p2 =	seq.s32 @!p0 s5, $0x0  }
0x1f: {  	s9 =	smul.u32 $0xF7A, s1;
	s8 =	simm.s32 @!p0 $0x1BF5;
	p2 =	por !p2, p0  }
0x20: {  	[sflag:s8] =	ssyncset.s32 @!p0 $0xFFFFF086;
	s6 =	sadd.s32 @!p0 s3, s7;
	s7 =	simm.s32 @!p0 $0x108  }
0x21: {  	s3 =	sadd.s32 s3, s9;
	s6 =	sadd.s32 @!p0 $0x88, s6;
	s7 =	simm.s32 @p2 $0x1082  }
0x22: {  	[simem:s7], [sflag:s8] =	dma.local @!p0 [hbm:s6], $0xF7A  }
0x23: {  	s9 =	sor.u32 $0xD0000000, s2;
	s6 =	simm.s32 $0x108;
	_ =	swait.ge @!p0 [sflag:s8], $0x0  }
0x24: {  	s3 =	sadd.s32 $0x88, s3;
	s6 =	simm.s32 @!p1 $0x1082;
	[sflag:s4] =	ssyncset.s32 $0xFFFFF086  }
0x25: {  	[simem:s6], [sflag:s4] =	dma.local [hbm:s3], $0xF7A  }
0x26: {  	[smem:$0x3F99] =	sst s1;
	(tag) =	ssettag s2;
	_ =	strace s9  }
0x27: {  	s1 =	sld [smem:$0x3FA9]  }
0x28: {  	s2 =	sld [smem:$0x3FAA]  }
0x29: {  	s4 =	sld [smem:$0x3FAC]  }
0x2a: {  	p0 =	seq.s32 s5, $0x0;
	s5 =	sld [smem:$0x3FAD]  }
0x2b: {  	s6 =	sld [smem:$0x3FAE]  }
0x2c: {  	s7 =	sld [smem:$0x3FAF]  }
0x2d: {  	s3 =	simm.s32 $0x108;
	s8 =	sld [smem:$0x3FB0]  }
0x2e: {  	s3 =	simm.s32 @!p0 $0x1082;
	s9 =	sld [smem:$0x3FB1]  }
0x2f: {  	lr =	sadd.s32 s0, s3;
	s0 =	sld [smem:$0x3FA8]  }
0x30: {  	s3 =	sld [smem:$0x3FAB]  }
0x31: {  	[smem:$0x3FB4] =	sst s10  }
0x32: {  	s10 =	sld [smem:$0x3FB2];
	_ =	sdelay $0x3  }
0x33: {  	p0 =	seq.s32 s10, $0x1;
	s10 =	sld [smem:$0x3FB4];
	_ =	sdelay $0x3  }
0x34: {  	[smem:$0x3FB4] =	sst s10  }
0x35: {  	s10 =	sld [smem:$0x3FB3];
	_ =	sdelay $0x3  }
0x36: {  	p1 =	seq.s32 s10, $0x1;
	s10 =	sld [smem:$0x3FB4];
	_ =	sdelay $0x3  }
0x37: {  	[smem:$0x3FB4] =	sst s10  }
0x38: {  	s10 =	sld [smem:$0x3FB5]  }
0x39: {  	_ = 	snop;
	(pc) =	sbr.ind lr, $3  }
0x3a: {  	_ = 	snop  }
0x3b: {  	_ = 	snop  }
0x3c: {  	p2 =	seq.s32 s10, $0x1;
	s10 =	sld [smem:$0x3FB4]  }
0x3d: {  	_ =	shalt  }
0x3e: {  	_ =	shalt  }
0x3f: {  	_ =	shalt  }
0x40: {  	_ =	shalt  }
0x41: {  	_ =	shalt  }
0x42: {  	_ =	shalt  }
0x43: {  	_ =	shalt  }
0x44: {  	_ =	shalt  }
0x45: {  	_ =	shalt  }
0x46: {  	_ =	shalt  }
0x47: {  	_ =	shalt  }
0x48: {  	_ =	shalt  }
0x49: {  	_ =	shalt  }
0x4a: {  	_ =	shalt  }
0x4b: {  	_ =	shalt  }
0x4c: {  	_ =	shalt  }
0x4d: {  	_ =	shalt  }
0x4e: {  	_ =	shalt  }
0x4f: {  	_ =	shalt  }
0x50: {  	_ =	shalt  }
0x51: {  	_ =	shalt  }
0x52: {  	_ =	shalt  }
0x53: {  	_ =	shalt  }
0x54: {  	_ =	shalt  }
0x55: {  	_ =	shalt  }
0x56: {  	_ =	shalt  }
0x57: {  	_ =	shalt  }
0x58: {  	_ =	shalt  }
0x59: {  	_ =	shalt  }
0x5a: {  	_ =	shalt  }
0x5b: {  	_ =	shalt  }
0x5c: {  	_ =	shalt  }
0x5d: {  	_ =	shalt  }
0x5e: {  	_ =	shalt  }
0x5f: {  	_ =	shalt  }
0x60: {  	_ =	shalt  }
0x61: {  	_ =	shalt  }
0x62: {  	_ =	shalt  }
0x63: {  	_ =	shalt  }
0x64: {  	_ =	shalt  }
0x65: {  	_ =	shalt  }
0x66: {  	_ =	shalt  }
0x67: {  	_ =	shalt  }
0x68: {  	_ =	shalt  }
0x69: {  	_ =	shalt  }
0x6a: {  	_ =	shalt  }
0x6b: {  	_ =	shalt  }
0x6c: {  	_ =	shalt  }
0x6d: {  	_ =	shalt  }
0x6e: {  	_ =	shalt  }
0x6f: {  	_ =	shalt  }
0x70: {  	_ =	shalt  }
0x71: {  	_ =	shalt  }
0x72: {  	_ =	shalt  }
0x73: {  	_ =	shalt  }
0x74: {  	_ =	shalt  }
0x75: {  	_ =	shalt  }
0x76: {  	_ =	shalt  }
0x77: {  	_ =	shalt  }
0x78: {  	_ =	shalt  }
0x79: {  	_ =	shalt  }
0x7a: {  	_ =	shalt  }
0x7b: {  	_ =	shalt  }
0x7c: {  	_ =	shalt  }
0x7d: {  	_ =	shalt  }
0x7e: {  	_ =	shalt  }
0x7f: {  	_ =	shalt  }
0x80: {  	_ =	shalt  }
0x81: {  	_ =	shalt  }
0x82: {  	_ =	shalt  }
0x83: {  	_ =	shalt  }
0x84: {  	_ =	shalt  }
0x85: {  	_ =	shalt  }
0x86: {  	_ =	shalt  }
0x87: {  	_ =	shalt  }
.Lfunc_end0:
.L_simem_size_0:
called_computation.2_lowered:
.L_overlay_start_0:
0x88: {  	s2 =	sld [smem:$0x3FD9]  }
0x89: {  	s3 =	sld [smem:$0x3FFE];
	_ =	sdelay $0x1  }
0x8a: {  	s1 =	srdreg.scid  }
0x8b: {  	s0 =	sand.u32 $0x1, s1  }
0x8c: {  	s17 =	sshll.u32 s0, $0xA;
	s2 =	sadd.s32 s3, s2  }
0x8d: {  	s2 =	sadd.s32 s2, s17  }
0x8e: {  	[smem:$0x3FC0] =	sst s2  }
0x8f: {  	_ = 	snop  }
0x90: {  	s2 =	sld [smem:$0x3FD0];
	(tm) =	ssettm $0x1  }
0x91: {  	s18 =	sld [smem:$0x3FFB];
	_ =	sdelay $0x3  }
0x92: {  	_ =	strace s18  }
0x93: {  	s3 =	sld [smem:$0x3FFC];
	_ =	sdelay $0x3  }
0x94: {  	_ =	strace s3  }
0x95: {  	s3 =	sld [smem:$0x3FFD];
	_ =	sdelay $0x3  }
0x96: {  	_ =	strace s3  }
0x97: {  	_ =	strace $0x8FFFFFFF  }
0x98: {  	s19 =	sld [smem:$0x3FDB];
	_ =	sdelay $0x1  }
0x99: {  	s4 =	simm.s32 $_scs_section_size  }
0x9a: {  	s5 =	simm.s32 $_size__tile_overlayer_lowered;
	s6 =	simm.s32 $_tile_overlayer_lowered  }
0x9b: {  	s22 =	simm.s32 $0x1BFF;
	s21 =	sshll.u32 s6, $0x1;
	s3 =	sadd.s32 s4, s19  }
0x9c: {  	s7 =	simm.s32 $0x0;
	s20 =	sshll.u32 s5, $0x1;
	s5 =	sadd.s32 s21, s3  }
0x9d: {  	[timem:s7], [sflag:s22] =	dma.local [hbm:s5], s20  }
0x9e: {  	_ =	swait.ge [sflag:s22], s20  }
0x9f: {  	s4 =	ssub.s32 $0x0, s20;
	[sflag:s22] =	ssyncset.done $0x0  }
0xa0: {  	[sflag:s22] =	ssyncadd.s32 s4;
	_ =	sdelay $0x1  }
0xa1: {  	s23 =	simm.s32 $0x1B8B  }
0xa2: {  	_ =	swait.ge [sflag:s23], $0x1  }
0xa3: {  	[sflag:s23] =	ssyncset.done $0x0  }
0xa4: {  	s25 =	simm.s32 $0x1B8E;
	s24 =	sld [smem:$0x3FFE];
	[sflag:s23] =	ssyncadd.s32 $0xFFFFFFFF  }
0xa5: {  	s26 =	simm.s32 $execute0_lowered;
	[smem:$0x3FD2] =	sst s25  }
0xa6: {  	s5 =	sshll.u32 s26, $0x1;
	_ =	strace $0x8000004C;
	[dreg:$0x1] =	wrdreg $0xFFFFFFFF  }
0xa7: {  	s28 =	simm.s32 $_size_execute0_lowered;
	s3 =	sadd.s32 s3, s5;
	[dreg:$0x0] =	wrdreg $0x0  }
0xa8: {  	s5 =	sshll.u32 s28, $0x1;
	[dreg:$0x2] =	wrdreg s3  }
0xa9: {  	[dreg:$0x3] =	wrdreg s5  }
0xaa: {  	[dreg:$0x4] =	wrdreg $0xC0  }
0xab: {  	_ =	task [dreg:s7], $0x5FFFF  }
0xac: {  	[dreg:$0x1] =	wrdreg $0xFFFFFFFF  }
0xad: {  	[dreg:$0x0] =	wrdreg $0x60  }
0xae: {  	[dreg:$0x2] =	wrdreg s24  }
0xaf: {  	[dreg:$0x3] =	wrdreg s2  }
0xb0: {  	[dreg:$0x4] =	wrdreg $0x0  }
0xb1: {  	[dreg:$0x5] =	wrdreg $0x9  }
0xb2: {  	_ =	task.clear_ibuf [dreg:s7], $0x6FFFF;
	_ =	strace $0x9000004C  }
0xb3: {  	s29 =	simm.s32 $0x9;
	_ =	strace $0x8000004E  }
0xb4: {  	_ =	swait.ge [sflag:s29], $0x1  }
0xb5: {  	[sflag:s29] =	ssyncadd.s32 $0xFFFFFFFF  }
0xb6: {  	_ =	strace $0x9000004E  }
0xb7: {  	_ =	sfence  }
0xb8: {  	s30 =	sld [smem:$0x0];
	_ =	sdelay $0x2  }
0xb9: {  	s31 =	sshll.u32 s1, $0xD;
	s1 =	sshrl.u32 s1, $0x2  }
0xba: {  	s3 =	sand.u32 $0x4000, s31;
	s1 =	sadd.s32 s1, s30  }
0xbb: {  	s0 =	sor.u32 s3, s0;
	s1 =	sshll.u32 s1, $0x11  }
0xbc: {  	s0 =	sor.u32 s1, s0  }
0xbd: {  	s0 =	sadd.s32 $0x8F2B, s0  }
0xbe: {  	[sflag:s0] =	ssyncadd.remote.s32 $0x1  }
0xbf: {  	_ =	sfence.sel $0xFFFF  }
0xc0: {  	[dreg:$0x0] =	wrdreg $0xFFFFFFFF;
	(pc) =	sbr.abs _section_cstart, $3  }
0xc1: {  	[dreg:$0x1] =	wrdreg $0xFFFFFFFF  }
0xc2: {  	_ =	task.clear_ibuf [dreg:s7], $0x2FFFF;
	_ =	strace $0x9FFFFFFF  }
0xc3: {  	(tm) =	ssettm $0x7FFFFFFF  }
tec
execute0_lowered:
.L_overlay_start_1:
0x0: {  	(tag) =	ssettag $0x1  }
0x1: {  	s5 =	rddreg [dreg:$0x0]  }
0x2: {  	s10 =	rddreg [dreg:$0x1];
	s0 =	srdreg.scid  }
0x3: {  	s2 =	rddreg [dreg:$0x2];
	s1 =	stileid.u32  }
0x4: {  	s3 =	simm.s32 $0x0;
	s16 =	simm.s32 $0x1;
	s7 =	smul.u32 $0x14000, s1  }
0x5: {  	s17 =	simm.s32 $0x14080;
	s18 =	simm.s32 $0x0;
	s28 =	smul.u32 $0x50000, s1  }
0x6: {  	s6 =	sand.u32 $0x1, s0;
	s0 =	rddreg [dreg:$0x3];
	s14 =	smul.u32 $0x4F0, s1  }
0x7: {  	[smem:$0x7FF] =	sst s3;
	s4 =	sadd.s32 $0xBE00, s5;
	s11 =	smul.u32 $0x4F00, s6  }
0x8: {  	s31 =	sshll.u32 s1, $0x6;
	s8 =	smul.u32 $0x140000, s6;
	s6 =	ssub.s32 $0x2, s6  }
0x9: {  	_ =	strace $0x8000004D;
	s12 =	sshrl.u32 s7, $0x3;
	s29 =	sshrl.u32 s6, $0x1  }
0xa: {  	s30 =	sshrl.u32 s28, $0x2;
	s9 =	sadd.s32 s11, s5;
	s7 =	sadd.s32 s7, s8  }
0xb: {  	s12 =	sadd.s32 s12, s5;
	s13 =	ssub.s32 s6, s29;
	s15 =	sadd.s32 s30, s2  }
0xc: {  	s6 =	sor.u32 $0x1C02, s31;
	s10 =	sadd.s32 s11, s10;
	s7 =	sshrl.u32 s7, $0x3  }
0xd: {  	s9 =	sadd.s32 s14, s9;
	s8 =	smax.u32 s13, $0x1;
	s10 =	sadd.s32 s14, s10  }
0xe: {  	s11 =	sshrl.u32 s15, $0x3;
	s13 =	simm.s32 $0x14000;
	s14 =	simm.s32 $0x80  }
0xf: {  	s15 =	simm.s32 $0x14100;
	s7 =	sadd.s32 s7, s5;
	s5 =	sadd.s32 $0x33E00, s12  }
0x10: {  	s9 =	sadd.s32 $0x2000, s9;
	s12 =	simm.s32 $0x2;
	s7 =	sadd.s32 $0x5BE00, s7  }
.LBB2_1:
0x11: {  	[spmem:s11], [sflag:s6] =	dma.local [hbm:s5], $0x2800  }
0x12: {  	_ =	swait.ge [sflag:s12], $0x2800  }
0x13: {  	[sflag:s12] =	ssyncset.done $0x0  }
0x14: {  	[sflag:s12] =	ssyncadd.s32 $0xFFFFD800  }
0x15: {  	s19 =	sadd.s32 $0x0, s10;
	[bflag:$0x0] =	sbarrier.arrive $0xFFFF  }
0x16: {  	[tilespmem:s13], [sflag:$0x2] =	stream.linear.gather [hbm4b:s19+s3], $0x80, $0x38;
	[tilespmem:$0x18100] =	vst v63  }
0x17: {  	_ =	swait.ge [sflag:s12], $0x80  }
0x18: {  	[sflag:s12] =	ssyncset.done $0x0  }
0x19: {  	[sflag:s12] =	ssyncadd.s32 $0xFFFFFF80  }
0x1a: {  	[tilespmem:s15], [sflag:$0x1] =	stream.indirect.gather [hbm4b:s4+s14], $0x80, s13, s14, $0xb8;
	[tilespmem:$0x18100] =	vst v63  }
0x1b: {  	_ =	swait.ge [sflag:s16], $0x4000  }
0x1c: {  	[sflag:s16] =	ssyncset.done $0x0  }
0x1d: {  	s31 =	sadd.s32 $0x0, s9;
	[sflag:s16] =	ssyncadd.s32 $0xFFFFC000  }
0x1e: {  	[tilespmem:s17], [sflag:$0x2] =	stream.linear.gather [hbm4b:s31+s3], $0x80, $0x38;
	[tilespmem:$0x18100] =	vst v63  }
0x1f: {  	_ =	swait.ge [sflag:s12], $0x80  }
0x20: {  	[sflag:s12] =	ssyncset.done $0x0  }
0x21: {  	[sflag:s12] =	ssyncadd.s32 $0xFFFFFF80  }
0x22: {  	[spmem:s2] =	stream.indirect.scatter.add.f32 [tilespmem:s15], [sflag:$0x2], $0x80, s17, s14, $0xb8;
	[tilespmem:$0x18100] =	vst v63  }
0x23: {  	_ =	swait.ge [sflag:s12], $0x4000  }
0x24: {  	s20 =	simm.s32 $0x20;
	s19 =	simm.s32 $0x10;
	[sflag:s12] =	ssyncset.done $0x0  }
.LBB2_2:
0x25: {  	s21 =	sadd.s32 s19, s10  }
0x26: {  	[sflag:s12] =	ssyncadd.s32 $0xFFFFC000;
	s22 =	smov.u32 s20;
	s23 =	sadd.s32 $0x10, s20  }
0x27: {  	[tilespmem:s13], [sflag:$0x2] =	stream.linear.gather [hbm4b:s21+s3], $0x80, $0x38;
	[tilespmem:$0x18100] =	vst v63  }
0x28: {  	p0 =	sne.s32 s20, $0x4E0;
	_ =	swait.ge [sflag:s12], $0x80  }
0x29: {  	[sflag:s12] =	ssyncset.done $0x0  }
0x2a: {  	[sflag:s12] =	ssyncadd.s32 $0xFFFFFF80  }
0x2b: {  	[tilespmem:s15], [sflag:$0x1] =	stream.indirect.gather [hbm4b:s4+s14], $0x80, s13, s14, $0xb8;
	[tilespmem:$0x18100] =	vst v63  }
0x2c: {  	_ =	swait.ge [sflag:s16], $0x4000  }
0x2d: {  	[sflag:s16] =	ssyncset.done $0x0  }
0x2e: {  	s20 =	sadd.s32 s19, s9;
	s19 =	smov.u32 s22;
	[sflag:s16] =	ssyncadd.s32 $0xFFFFC000  }
0x2f: {  	[tilespmem:s17], [sflag:$0x2] =	stream.linear.gather [hbm4b:s20+s3], $0x80, $0x38;
	[tilespmem:$0x18100] =	vst v63  }
0x30: {  	_ =	swait.ge [sflag:s12], $0x80  }
.Ltmp0:
0x31: {  	[sflag:s12] =	ssyncset.done $0x0;
	(pc) =	sbr.rel @p0 .LBB2_2-.Ltmp0, $4  }
0x32: {  	[sflag:s12] =	ssyncadd.s32 $0xFFFFFF80  }
0x33: {  	[spmem:s2] =	stream.indirect.scatter.add.f32 [tilespmem:s15], [sflag:$0x2], $0x80, s17, s14, $0xb8;
	[tilespmem:$0x18100] =	vst v63  }
0x34: {  	_ =	swait.ge [sflag:s12], $0x4000  }
0x35: {  	s20 =	smov.u32 s23;
	[sflag:s12] =	ssyncset.done $0x0  }
0x36: {  	s20 =	sadd.s32 s19, s10;
	[sflag:s12] =	ssyncadd.s32 $0xFFFFC000  }
0x37: {  	[tilespmem:s13], [sflag:$0x2] =	stream.linear.gather [hbm4b:s20+s3], $0x80, $0x38;
	[tilespmem:$0x18100] =	vst v63  }
0x38: {  	_ =	swait.ge [sflag:s12], $0x80  }
0x39: {  	[sflag:s12] =	ssyncset.done $0x0  }
0x3a: {  	[sflag:s12] =	ssyncadd.s32 $0xFFFFFF80  }
0x3b: {  	[tilespmem:s15], [sflag:$0x1] =	stream.indirect.gather [hbm4b:s4+s14], $0x80, s13, s14, $0xb8;
	[tilespmem:$0x18100] =	vst v63  }
0x3c: {  	_ =	swait.ge [sflag:s16], $0x4000  }
0x3d: {  	[sflag:s16] =	ssyncset.done $0x0  }
0x3e: {  	s31 =	sadd.s32 s19, s9;
	[sflag:s16] =	ssyncadd.s32 $0xFFFFC000  }
0x3f: {  	[tilespmem:s17], [sflag:$0x2] =	stream.linear.gather [hbm4b:s31+s3], $0x80, $0x38;
	[tilespmem:$0x18100] =	vst v63  }
0x40: {  	_ =	swait.ge [sflag:s12], $0x80  }
0x41: {  	[sflag:s12] =	ssyncset.done $0x0  }
0x42: {  	[sflag:s12] =	ssyncadd.s32 $0xFFFFFF80  }
0x43: {  	[spmem:s2] =	stream.indirect.scatter.add.f32 [tilespmem:s15], [sflag:$0x2], $0x80, s17, s14, $0xb8;
	[tilespmem:$0x18100] =	vst v63  }
0x44: {  	_ =	swait.ge [sflag:s12], $0x4000  }
0x45: {  	s18 =	sadd.s32 $0x1, s18;
	[sflag:s12] =	ssyncset.done $0x0  }
0x46: {  	p0 =	sne.s32 s18, s8;
	[sflag:s12] =	ssyncadd.s32 $0xFFFFC000  }
.Ltmp1:
0x47: {  	[bflag:$0x0] =	sbarrier.arrive $0xFFFF;
	(pc) =	sbr.rel @p0 .LBB2_1-.Ltmp1, $4  }
0x48: {  	[hbm:s7], [sflag:s6] =	dma.local [spmem:s11], $0x2800  }
0x49: {  	_ =	swait.ge [sflag:s12], $0x2800  }
0x4a: {  	[sflag:s12] =	ssyncset.done $0x0  }
0x4b: {  	[sflag:s12] =	ssyncadd.s32 $0xFFFFD800  }
0x4c: {  	_ =	sfence.sel $0x180000  }
0x4d: {  	[bflag:$0x0] =	sbarrier.arrive $0xFFFF  }
0x4e: {  	p0 =	sne.s32 s1, $0x0;
	_ =	strace $0x9000004D  }
0x4f: {  	s0 =	sadd.s32 @!p0 $0x100000, s0;
	[bflag:$0x2] =	sbarrier.arrive $0xFFFF  }
0x50: {  	[sflag:s0] =	ssyncadd.tile.s32 @!p0 $0x1;
	_ =	shalt  }
.Lfunc_end2:
_tile_overlayer_lowered:
.L_overlay_start_2:
0x51: {  	(tag) =	ssettag $0x2  }
0x52: {  	s0 =	rddreg [dreg:$0x0];
	s2 =	stileid.u32  }
0x53: {  	s1 =	rddreg [dreg:$0x1];
	p0 =	sne.s32 s2, $0x0  }
0x54: {  	s3 =	rddreg [dreg:$0x2];
	[bflag:$0x3] =	sbarrier.arrive $0xFFFF;
	s2 =	simm.s32 @!p0 $0x1C02  }
0x55: {  	[timem:s3], [sflag:s2] =	dma.local @!p0 [hbm:s0], s1  }
0x56: {  	s0 =	simm.s32 @!p0 $0x2  }
0x57: {  	_ =	swait.ge @!p0 [sflag:s0], s1  }
0x58: {  	s1 =	ssub.s32 @!p0 $0x0, s1;
	[sflag:s0] =	ssyncset.done @!p0 $0x0  }
0x59: {  	[sflag:s0] =	ssyncadd.s32 @!p0 s1  }
0x5a: {  	[bflag:$0x3] =	sbarrier.arrive $0xFFFF  }
0x5b: {  	_ =	shalt  }

// kernel: kernel.7.cloned.1.call-start
scs
__scs_entry_jumppad:
0x0: {  	(pc) =	sbr.rel $0x88, $3  }
0x1: {  	(tag) =	ssettag $0x0;
	lr =	simm.s32 $0x1  }
0x2: {  	[smem:$0x3F99] =	sst lr;
	_ =	strace $0xD0000000  }
0x3: {  	_ = 	snop  }
0x4: {  	_ = 	snop  }
0x5: {  	_ = 	snop  }
0x6: {  	_ = 	snop  }
0x7: {  	_ = 	snop  }
__scs_overlays_trampoline_lowered:
0x8: {  	[smem:$0x3FA8] =	sst s0  }
0x9: {  	[smem:$0x3FA9] =	sst s1  }
0xa: {  	[smem:$0x3FAA] =	sst s2  }
0xb: {  	[smem:$0x3FAB] =	sst s3  }
0xc: {  	[smem:$0x3FAC] =	sst s4  }
0xd: {  	[smem:$0x3FAD] =	sst s5  }
0xe: {  	[smem:$0x3FAE] =	sst s6  }
0xf: {  	[smem:$0x3FAF] =	sst s7  }
0x10: {  	[smem:$0x3FB0] =	sst s8  }
0x11: {  	[smem:$0x3FB1] =	sst s9;
	s0 =	simm.s32 @!p0 $0x0  }
0x12: {  	s1 =	sld [smem:$0x3F97];
	s0 =	simm.s32 @p0 $0x1  }
0x13: {  	[smem:$0x3FB2] =	sst s0;
	s0 =	simm.s32 @!p1 $0x0  }
0x14: {  	s2 =	sld [smem:$0x3F96];
	s0 =	simm.s32 @p1 $0x1  }
0x15: {  	[smem:$0x3FB3] =	sst s0;
	s0 =	simm.s32 @!p2 $0x0  }
0x16: {  	s3 =	sld [smem:$0x3FDB];
	s0 =	simm.s32 @p2 $0x1  }
0x17: {  	s4 =	simm.s32 $0x1BF5;
	[smem:$0x3FB5] =	sst s0  }
0x18: {  	s0 =	sld [smem:$0x3F98];
	_ =	swait.ge [sflag:s4], $0x0  }
0x19: {  	s7 =	sld [smem:$0x3F99]  }
0x1a: {  	s8 =	sadd.s32 $0xFFFFE003, lr  }
0x1b: {  	s9 =	sadd.s32 $0xFFFFFEF7, lr;
	s5 =	simm.s32 $0xFFFFFFFF;
	p2 =	slt.u32 s8, $0xFFFFF086  }
0x1c: {  	p1 =	slt.u32 s9, $0xF7A;
	s5 =	simm.s32 @!p2 $0x0  }
0x1d: {  	s5 =	simm.s32 @p1 $0x1;
	p0 =	seq.s32 s7, s2  }
0x1e: {  	s7 =	smul.u32 @!p0 $0xF7A, s2;
	p2 =	seq.s32 @!p0 s5, $0x0  }
0x1f: {  	s9 =	smul.u32 $0xF7A, s1;
	s8 =	simm.s32 @!p0 $0x1BF5;
	p2 =	por !p2, p0  }
0x20: {  	[sflag:s8] =	ssyncset.s32 @!p0 $0xFFFFF086;
	s6 =	sadd.s32 @!p0 s3, s7;
	s7 =	simm.s32 @!p0 $0x108  }
0x21: {  	s3 =	sadd.s32 s3, s9;
	s6 =	sadd.s32 @!p0 $0x88, s6;
	s7 =	simm.s32 @p2 $0x1082  }
0x22: {  	[simem:s7], [sflag:s8] =	dma.local @!p0 [hbm:s6], $0xF7A  }
0x23: {  	s9 =	sor.u32 $0xD0000000, s2;
	s6 =	simm.s32 $0x108;
	_ =	swait.ge @!p0 [sflag:s8], $0x0  }
0x24: {  	s3 =	sadd.s32 $0x88, s3;
	s6 =	simm.s32 @!p1 $0x1082;
	[sflag:s4] =	ssyncset.s32 $0xFFFFF086  }
0x25: {  	[simem:s6], [sflag:s4] =	dma.local [hbm:s3], $0xF7A  }
0x26: {  	[smem:$0x3F99] =	sst s1;
	(tag) =	ssettag s2;
	_ =	strace s9  }
0x27: {  	s1 =	sld [smem:$0x3FA9]  }
0x28: {  	s2 =	sld [smem:$0x3FAA]  }
0x29: {  	s4 =	sld [smem:$0x3FAC]  }
0x2a: {  	p0 =	seq.s32 s5, $0x0;
	s5 =	sld [smem:$0x3FAD]  }
0x2b: {  	s6 =	sld [smem:$0x3FAE]  }
0x2c: {  	s7 =	sld [smem:$0x3FAF]  }
0x2d: {  	s3 =	simm.s32 $0x108;
	s8 =	sld [smem:$0x3FB0]  }
0x2e: {  	s3 =	simm.s32 @!p0 $0x1082;
	s9 =	sld [smem:$0x3FB1]  }
0x2f: {  	lr =	sadd.s32 s0, s3;
	s0 =	sld [smem:$0x3FA8]  }
0x30: {  	s3 =	sld [smem:$0x3FAB]  }
0x31: {  	[smem:$0x3FB4] =	sst s10  }
0x32: {  	s10 =	sld [smem:$0x3FB2];
	_ =	sdelay $0x3  }
0x33: {  	p0 =	seq.s32 s10, $0x1;
	s10 =	sld [smem:$0x3FB4];
	_ =	sdelay $0x3  }
0x34: {  	[smem:$0x3FB4] =	sst s10  }
0x35: {  	s10 =	sld [smem:$0x3FB3];
	_ =	sdelay $0x3  }
0x36: {  	p1 =	seq.s32 s10, $0x1;
	s10 =	sld [smem:$0x3FB4];
	_ =	sdelay $0x3  }
0x37: {  	[smem:$0x3FB4] =	sst s10  }
0x38: {  	s10 =	sld [smem:$0x3FB5]  }
0x39: {  	_ = 	snop;
	(pc) =	sbr.ind lr, $3  }
0x3a: {  	_ = 	snop  }
0x3b: {  	_ = 	snop  }
0x3c: {  	p2 =	seq.s32 s10, $0x1;
	s10 =	sld [smem:$0x3FB4]  }
0x3d: {  	_ =	shalt  }
0x3e: {  	_ =	shalt  }
0x3f: {  	_ =	shalt  }
0x40: {  	_ =	shalt  }
0x41: {  	_ =	shalt  }
0x42: {  	_ =	shalt  }
0x43: {  	_ =	shalt  }
0x44: {  	_ =	shalt  }
0x45: {  	_ =	shalt  }
0x46: {  	_ =	shalt  }
0x47: {  	_ =	shalt  }
0x48: {  	_ =	shalt  }
0x49: {  	_ =	shalt  }
0x4a: {  	_ =	shalt  }
0x4b: {  	_ =	shalt  }
0x4c: {  	_ =	shalt  }
0x4d: {  	_ =	shalt  }
0x4e: {  	_ =	shalt  }
0x4f: {  	_ =	shalt  }
0x50: {  	_ =	shalt  }
0x51: {  	_ =	shalt  }
0x52: {  	_ =	shalt  }
0x53: {  	_ =	shalt  }
0x54: {  	_ =	shalt  }
0x55: {  	_ =	shalt  }
0x56: {  	_ =	shalt  }
0x57: {  	_ =	shalt  }
0x58: {  	_ =	shalt  }
0x59: {  	_ =	shalt  }
0x5a: {  	_ =	shalt  }
0x5b: {  	_ =	shalt  }
0x5c: {  	_ =	shalt  }
0x5d: {  	_ =	shalt  }
0x5e: {  	_ =	shalt  }
0x5f: {  	_ =	shalt  }
0x60: {  	_ =	shalt  }
0x61: {  	_ =	shalt  }
0x62: {  	_ =	shalt  }
0x63: {  	_ =	shalt  }
0x64: {  	_ =	shalt  }
0x65: {  	_ =	shalt  }
0x66: {  	_ =	shalt  }
0x67: {  	_ =	shalt  }
0x68: {  	_ =	shalt  }
0x69: {  	_ =	shalt  }
0x6a: {  	_ =	shalt  }
0x6b: {  	_ =	shalt  }
0x6c: {  	_ =	shalt  }
0x6d: {  	_ =	shalt  }
0x6e: {  	_ =	shalt  }
0x6f: {  	_ =	shalt  }
0x70: {  	_ =	shalt  }
0x71: {  	_ =	shalt  }
0x72: {  	_ =	shalt  }
0x73: {  	_ =	shalt  }
0x74: {  	_ =	shalt  }
0x75: {  	_ =	shalt  }
0x76: {  	_ =	shalt  }
0x77: {  	_ =	shalt  }
0x78: {  	_ =	shalt  }
0x79: {  	_ =	shalt  }
0x7a: {  	_ =	shalt  }
0x7b: {  	_ =	shalt  }
0x7c: {  	_ =	shalt  }
0x7d: {  	_ =	shalt  }
0x7e: {  	_ =	shalt  }
0x7f: {  	_ =	shalt  }
0x80: {  	_ =	shalt  }
0x81: {  	_ =	shalt  }
0x82: {  	_ =	shalt  }
0x83: {  	_ =	shalt  }
0x84: {  	_ =	shalt  }
0x85: {  	_ =	shalt  }
0x86: {  	_ =	shalt  }
0x87: {  	_ =	shalt  }
.Lfunc_end0:
.L_simem_size_0:
called_computation_lowered:
.L_overlay_start_0:
0x88: {  	s2 =	sld [smem:$0x3FD9]  }
0x89: {  	s3 =	sld [smem:$0x3FFE];
	_ =	sdelay $0x1  }
0x8a: {  	s1 =	srdreg.scid  }
0x8b: {  	s0 =	sand.u32 $0x1, s1  }
0x8c: {  	s17 =	sshll.u32 s0, $0xA;
	s2 =	sadd.s32 s3, s2  }
0x8d: {  	s2 =	sadd.s32 s2, s17  }
0x8e: {  	[smem:$0x3FC0] =	sst s2  }
0x8f: {  	_ = 	snop  }
0x90: {  	(tm) =	ssettm $0x1  }
0x91: {  	s18 =	sld [smem:$0x3FFB];
	_ =	sdelay $0x3  }
0x92: {  	_ =	strace s18  }
0x93: {  	s2 =	sld [smem:$0x3FFC];
	_ =	sdelay $0x3  }
0x94: {  	_ =	strace s2  }
0x95: {  	s2 =	sld [smem:$0x3FFD];
	_ =	sdelay $0x3  }
0x96: {  	_ =	strace s2  }
0x97: {  	_ =	strace $0x8FFFFFFF  }
0x98: {  	s19 =	sld [smem:$0x3FDB];
	_ =	sdelay $0x1  }
0x99: {  	s20 =	simm.s32 $_scs_section_size  }
0x9a: {  	s4 =	simm.s32 $_size__tile_overlayer_lowered;
	s5 =	simm.s32 $_tile_overlayer_lowered  }
0x9b: {  	s6 =	simm.s32 $0x1BFF;
	s21 =	sshll.u32 s5, $0x1;
	s3 =	sadd.s32 s20, s19  }
0x9c: {  	s22 =	simm.s32 $0x0;
	s4 =	sshll.u32 s4, $0x1;
	s5 =	sadd.s32 s21, s3  }
0x9d: {  	[timem:s22], [sflag:s6] =	dma.local [hbm:s5], s4  }
0x9e: {  	_ =	swait.ge [sflag:s6], s4  }
0x9f: {  	s4 =	ssub.s32 $0x0, s4;
	[sflag:s6] =	ssyncset.done $0x0  }
0xa0: {  	[sflag:s6] =	ssyncadd.s32 s4;
	_ =	sdelay $0x1  }
0xa1: {  	s23 =	simm.s32 $0x1B8B  }
0xa2: {  	_ =	swait.ge [sflag:s23], $0x1  }
0xa3: {  	[sflag:s23] =	ssyncset.done $0x0  }
0xa4: {  	[sflag:s23] =	ssyncadd.s32 $0xFFFFFFFF  }
0xa5: {  	s4 =	sld [smem:$0x0]  }
0xa6: {  	s5 =	sand.u32 $0xFFFFFFFE, s1  }
0xa7: {  	p0 =	sne.s32 s1, s5  }
0xa8: {  	s5 =	sshll.u32 @p0 s5, $0xE  }
0xa9: {  	s5 =	sadd.s32 @p0 $0x11B8D, s5;
	s6 =	sshll.u32 @p0 s4, $0x11  }
0xaa: {  	s5 =	sor.u32 @p0 s6, s5  }
0xab: {  	[sflag:s5] =	ssyncadd.remote.s32 @p0 $0x1;
	_ =	sdelay $0x1  }
0xac: {  	s5 =	simm.s32 @p0 $0x1B8D  }
0xad: {  	_ =	swait.eq @p0 [sflag:s5], $0x1  }
0xae: {  	[sflag:s5] =	ssyncadd.s32 @p0 $0xFFFFFFFF  }
0xaf: {  	s6 =	sshll.u32 @!p0 s1, $0xE  }
0xb0: {  	s6 =	sor.u32 @!p0 $0x4000, s6;
	s5 =	simm.s32 @!p0 $0x1B8D  }
0xb1: {  	s4 =	sshll.u32 @!p0 s4, $0x11;
	s6 =	sadd.s32 @!p0 $0x11B8D, s6;
	_ =	swait.eq @!p0 [sflag:s5], $0x1  }
0xb2: {  	s4 =	sor.u32 @!p0 s4, s6;
	[sflag:s5] =	ssyncadd.s32 @!p0 $0xFFFFFFFF  }
0xb3: {  	s25 =	simm.s32 $0x1B8E;
	s24 =	sld [smem:$0x3FFE];
	[sflag:s4] =	ssyncadd.remote.s32 @!p0 $0x1  }
0xb4: {  	s26 =	simm.s32 $execute0_lowered;
	[smem:$0x3FD2] =	sst s25  }
0xb5: {  	s5 =	sshll.u32 s26, $0x1;
	_ =	strace $0x80000049;
	[dreg:$0x1] =	wrdreg $0xFFFFFFFF  }
0xb6: {  	s28 =	simm.s32 $_size_execute0_lowered;
	s3 =	sadd.s32 s3, s5;
	[dreg:$0x0] =	wrdreg $0x0  }
0xb7: {  	s5 =	sshll.u32 s28, $0x1;
	[dreg:$0x2] =	wrdreg s3  }
0xb8: {  	[dreg:$0x3] =	wrdreg s5  }
0xb9: {  	[dreg:$0x4] =	wrdreg $0xC0  }
0xba: {  	_ =	task [dreg:s22], $0x5FFFF  }
0xbb: {  	[dreg:$0x1] =	wrdreg $0xFFFFFFFF  }
0xbc: {  	[dreg:$0x0] =	wrdreg $0x60  }
0xbd: {  	[dreg:$0x2] =	wrdreg s24  }
0xbe: {  	[dreg:$0x3] =	wrdreg $0x0  }
0xbf: {  	[dreg:$0x4] =	wrdreg $0x9  }
0xc0: {  	_ =	task.clear_ibuf [dreg:s22], $0x5FFFF;
	_ =	strace $0x90000049  }
0xc1: {  	s29 =	simm.s32 $0x9;
	_ =	strace $0x8000004B  }
0xc2: {  	_ =	swait.ge [sflag:s29], $0x1  }
0xc3: {  	[sflag:s29] =	ssyncadd.s32 $0xFFFFFFFF  }
0xc4: {  	_ =	strace $0x9000004B  }
0xc5: {  	_ =	sfence  }
0xc6: {  	s30 =	sld [smem:$0x0];
	_ =	sdelay $0x2  }
0xc7: {  	s31 =	sshll.u32 s1, $0xD;
	s1 =	sshrl.u32 s1, $0x2  }
0xc8: {  	s4 =	sand.u32 $0x4000, s31;
	s1 =	sadd.s32 s1, s30  }
0xc9: {  	s0 =	sor.u32 s4, s0;
	s1 =	sshll.u32 s1, $0x11  }
0xca: {  	s0 =	sor.u32 s1, s0  }
0xcb: {  	s0 =	sadd.s32 $0x8F2B, s0  }
0xcc: {  	[sflag:s0] =	ssyncadd.remote.s32 $0x1  }
0xcd: {  	_ =	sfence.sel $0xFFFF  }
0xce: {  	[dreg:$0x0] =	wrdreg $0xFFFFFFFF;
	(pc) =	sbr.abs _section_cstart, $3  }
0xcf: {  	[dreg:$0x1] =	wrdreg $0xFFFFFFFF  }
0xd0: {  	_ =	task.clear_ibuf [dreg:s22], $0x2FFFF;
	_ =	strace $0x9FFFFFFF  }
0xd1: {  	(tm) =	ssettm $0x7FFFFFFF  }
tec
execute0_lowered:
.L_overlay_start_1:
0x0: {  	(tag) =	ssettag $0x1  }
0x1: {  	s5 =	rddreg [dreg:$0x0]  }
0x2: {  	s0 =	srdreg.scid;
	s1 =	stileid.u32  }
0x3: {  	s2 =	rddreg [dreg:$0x1];
	s3 =	simm.s32 $0x0;
	s7 =	smul.u32 $0x14000, s1  }
0x4: {  	s13 =	simm.s32 $0x14000;
	s14 =	simm.s32 $0x80;
	s10 =	smul.u32 $0x50000, s1  }
0x5: {  	s6 =	sand.u32 $0x1, s0;
	s0 =	rddreg [dreg:$0x2];
	s11 =	smul.u32 $0x4F0, s1  }
0x6: {  	s15 =	simm.s32 $0x0;
	[smem:$0x7FF] =	sst s3;
	s4 =	smul.u32 $0x4F00, s6  }
0x7: {  	s31 =	sshll.u32 s1, $0x6;
	s8 =	smul.u32 $0x140000, s6;
	s30 =	ssub.s32 $0x2, s6  }
0x8: {  	_ =	strace $0x8000004A;
	s28 =	sshrl.u32 s7, $0x3;
	s6 =	sshrl.u32 s30, $0x1  }
0x9: {  	s10 =	sshrl.u32 s10, $0x2;
	s9 =	sadd.s32 s4, s5;
	s7 =	sadd.s32 s7, s8  }
0xa: {  	s29 =	sadd.s32 s28, s5;
	s4 =	sadd.s32 $0xABE00, s5;
	s12 =	ssub.s32 s30, s6  }
0xb: {  	s10 =	sadd.s32 s10, s2;
	s6 =	sor.u32 $0x1C01, s31;
	s7 =	sshrl.u32 s7, $0x3  }
0xc: {  	s9 =	sadd.s32 s11, s9;
	s8 =	smax.u32 s12, $0x1;
	s10 =	sshrl.u32 s10, $0x3  }
0xd: {  	s11 =	simm.s32 $0x1;
	s12 =	simm.s32 $0x14080;
	s7 =	sadd.s32 s7, s5  }
0xe: {  	s5 =	sadd.s32 $0x33E00, s29;
	s9 =	sadd.s32 $0x2000, s9;
	s7 =	sadd.s32 $0xAC600, s7  }
.LBB2_1:
0xf: {  	[spmem:s10], [sflag:s6] =	dma.local [hbm:s5], $0x2800  }
0x10: {  	_ =	swait.ge [sflag:s11], $0x2800  }
0x11: {  	[sflag:s11] =	ssyncset.done $0x0  }
0x12: {  	[sflag:s11] =	ssyncadd.s32 $0xFFFFD800  }
0x13: {  	[tilespmem:s12], [sflag:$0x1] =	stream.linear.gather [hbm4b:s4+s3], $0x4000, $0x38;
	[tilespmem:$0x18080] =	vst v63  }
0x14: {  	_ =	swait.ge [sflag:s11], $0x4000  }
0x15: {  	[sflag:s11] =	ssyncset.done $0x0  }
0x16: {  	[sflag:s11] =	ssyncadd.s32 $0xFFFFC000  }
0x17: {  	s16 =	sadd.s32 $0x0, s9;
	[bflag:$0x0] =	sbarrier.arrive $0xFFFF  }
0x18: {  	[tilespmem:s13], [sflag:$0x1] =	stream.linear.gather [hbm4b:s16+s3], $0x80, $0x38;
	[tilespmem:$0x18080] =	vst v63  }
0x19: {  	_ =	swait.ge [sflag:s11], $0x80  }
0x1a: {  	[sflag:s11] =	ssyncset.done $0x0  }
0x1b: {  	[sflag:s11] =	ssyncadd.s32 $0xFFFFFF80  }
0x1c: {  	[spmem:s2] =	stream.indirect.scatter.add.f32 [tilespmem:s12], [sflag:$0x1], $0x80, s13, s14, $0xb8;
	[tilespmem:$0x18080] =	vst v63  }
0x1d: {  	_ =	swait.ge [sflag:s11], $0x4000  }
0x1e: {  	s17 =	simm.s32 $0x20;
	s16 =	simm.s32 $0x10;
	[sflag:s11] =	ssyncset.done $0x0  }
.LBB2_2:
0x1f: {  	s18 =	sadd.s32 s16, s9  }
0x20: {  	[sflag:s11] =	ssyncadd.s32 $0xFFFFC000;
	s16 =	smov.u32 s17;
	s19 =	sadd.s32 $0x10, s17  }
0x21: {  	[tilespmem:s13], [sflag:$0x1] =	stream.linear.gather [hbm4b:s18+s3], $0x80, $0x38;
	[tilespmem:$0x18080] =	vst v63  }
0x22: {  	p0 =	sne.s32 s17, $0x4E0;
	_ =	swait.ge [sflag:s11], $0x80  }
.Ltmp0:
0x23: {  	[sflag:s11] =	ssyncset.done $0x0;
	(pc) =	sbr.rel @p0 .LBB2_2-.Ltmp0, $4  }
0x24: {  	[sflag:s11] =	ssyncadd.s32 $0xFFFFFF80  }
0x25: {  	[spmem:s2] =	stream.indirect.scatter.add.f32 [tilespmem:s12], [sflag:$0x1], $0x80, s13, s14, $0xb8;
	[tilespmem:$0x18080] =	vst v63  }
0x26: {  	_ =	swait.ge [sflag:s11], $0x4000  }
0x27: {  	s17 =	smov.u32 s19;
	[sflag:s11] =	ssyncset.done $0x0  }
0x28: {  	s16 =	sadd.s32 s16, s9;
	[sflag:s11] =	ssyncadd.s32 $0xFFFFC000  }
0x29: {  	[tilespmem:s13], [sflag:$0x1] =	stream.linear.gather [hbm4b:s16+s3], $0x80, $0x38;
	[tilespmem:$0x18080] =	vst v63  }
0x2a: {  	_ =	swait.ge [sflag:s11], $0x80  }
0x2b: {  	[sflag:s11] =	ssyncset.done $0x0  }
0x2c: {  	[sflag:s11] =	ssyncadd.s32 $0xFFFFFF80  }
0x2d: {  	[spmem:s2] =	stream.indirect.scatter.add.f32 [tilespmem:s12], [sflag:$0x1], $0x80, s13, s14, $0xb8;
	[tilespmem:$0x18080] =	vst v63  }
0x2e: {  	_ =	swait.ge [sflag:s11], $0x4000  }
0x2f: {  	s15 =	sadd.s32 $0x1, s15;
	[sflag:s11] =	ssyncset.done $0x0  }
0x30: {  	p0 =	sne.s32 s15, s8;
	[sflag:s11] =	ssyncadd.s32 $0xFFFFC000  }
.Ltmp1:
0x31: {  	[bflag:$0x0] =	sbarrier.arrive $0xFFFF;
	(pc) =	sbr.rel @p0 .LBB2_1-.Ltmp1, $4  }
0x32: {  	[hbm:s7], [sflag:s6] =	dma.local [spmem:s10], $0x2800  }
0x33: {  	_ =	swait.ge [sflag:s11], $0x2800  }
0x34: {  	[sflag:s11] =	ssyncset.done $0x0  }
0x35: {  	[sflag:s11] =	ssyncadd.s32 $0xFFFFD800  }
0x36: {  	_ =	sfence.sel $0x180000  }
0x37: {  	[bflag:$0x0] =	sbarrier.arrive $0xFFFF  }
0x38: {  	p0 =	sne.s32 s1, $0x0;
	_ =	strace $0x9000004A  }
0x39: {  	s0 =	sadd.s32 @!p0 $0x100000, s0;
	[bflag:$0x2] =	sbarrier.arrive $0xFFFF  }
0x3a: {  	[sflag:s0] =	ssyncadd.tile.s32 @!p0 $0x1;
	_ =	shalt  }
.Lfunc_end2:
_tile_overlayer_lowered:
.L_overlay_start_2:
0x3b: {  	(tag) =	ssettag $0x2  }
0x3c: {  	s0 =	rddreg [dreg:$0x0];
	s2 =	stileid.u32  }
0x3d: {  	s1 =	rddreg [dreg:$0x1];
	p0 =	sne.s32 s2, $0x0  }
0x3e: {  	s3 =	rddreg [dreg:$0x2];
	[bflag:$0x3] =	sbarrier.arrive $0xFFFF;
	s2 =	simm.s32 @!p0 $0x1C01  }
0x3f: {  	[timem:s3], [sflag:s2] =	dma.local @!p0 [hbm:s0], s1  }
0x40: {  	s0 =	simm.s32 @!p0 $0x1  }
0x41: {  	_ =	swait.ge @!p0 [sflag:s0], s1  }
0x42: {  	s1 =	ssub.s32 @!p0 $0x0, s1;
	[sflag:s0] =	ssyncset.done @!p0 $0x0  }
0x43: {  	[sflag:s0] =	ssyncadd.s32 @!p0 s1  }
0x44: {  	[bflag:$0x3] =	sbarrier.arrive $0xFFFF  }
0x45: {  	_ =	shalt  }

</sc_bundles>
